<compile_context>
chip_gen: v7x
topology: tpu7x:2x2x1
jax: 0.10.2.dev20260603
libtpu: 0.0.44.dev20260713+nightly
codegen_flags: <defaults>
</compile_context>

<pallas_src>
import functools

import jax
import jax.numpy as jnp
from jax import lax
from jax.experimental import pallas as pl
from jax.experimental.pallas import tpu as pltpu
from jax.experimental.pallas import tpu_sc as plsc

NC = 2
NS = 16
L = 16
NW = NC * NS
IDX_CHUNK = 128
TBLK = 32768
QBLK = TBLK // 4
SH_T = TBLK.bit_length() - 1
SH_Q = QBLK.bit_length() - 1
SC_CHUNK = 256


def _relayout_body(ut_ref, it_ref, u_ref, i_ref):
    for src, dst in ((ut_ref, u_ref), (it_ref, i_ref)):
        x = src[...]
        x2 = x.reshape(32, 4, QBLK).transpose(1, 0, 2).reshape(128, QBLK)
        dst[...] = x2.T


@functools.partial(jax.jit, static_argnames=("B", "D"))
def _mf_dot(user_idx, item_idx, uemb_t, iemb_t, *, B, D):
    V = uemb_t.shape[1]
    bpw = B // NW
    nchunk = bpw // IDX_CHUNK
    nblocks = (V + TBLK - 1) // TBLK
    vpad = nblocks * QBLK

    u_rm, i_rm = pl.pallas_call(
        _relayout_body,
        grid=(nblocks,),
        in_specs=[
            pl.BlockSpec((D, TBLK), lambda j: (0, j)),
            pl.BlockSpec((D, TBLK), lambda j: (0, j)),
        ],
        out_specs=[
            pl.BlockSpec((QBLK, 128), lambda j: (j, 0)),
            pl.BlockSpec((QBLK, 128), lambda j: (j, 0)),
        ],
        out_shape=[
            jax.ShapeDtypeStruct((vpad, 128), jnp.float32),
            jax.ShapeDtypeStruct((vpad, 128), jnp.float32),
        ],
        compiler_params=pltpu.CompilerParams(
            dimension_semantics=("parallel",)
        ),
    )(uemb_t, iemb_t)

    mesh = plsc.VectorSubcoreMesh(
        core_axis_name="c", subcore_axis_name="s", num_cores=NC, num_subcores=NS
    )
    cparams = pltpu.CompilerParams(
        needs_layout_passes=False, use_tc_tiling_on_sc=False
    )

    @functools.partial(
        pl.kernel,
        mesh=mesh,
        compiler_params=cparams,
        out_type=jax.ShapeDtypeStruct((B,), jnp.float32),
        scratch_types=[
            pltpu.VMEM((nchunk, IDX_CHUNK), jnp.int32),
            pltpu.VMEM((nchunk, IDX_CHUNK), jnp.int32),
            pltpu.VMEM((nchunk, IDX_CHUNK), jnp.int32),
            pltpu.VMEM((nchunk, IDX_CHUNK), jnp.int32),
            pltpu.VMEM((SC_CHUNK, 128), jnp.float32),
            pltpu.VMEM((SC_CHUNK, 128), jnp.float32),
            pltpu.VMEM((bpw,), jnp.float32),
            pltpu.SemaphoreType.DMA,
        ],
    )
    def k(uemb_hbm, iemb_hbm, uidx_hbm, iidx_hbm, out_hbm,
          idxu, idxi, rowu, rowi, urows, vrows, outv, sem):
        wid = lax.axis_index("s") * NC + lax.axis_index("c")
        base = wid * bpw
        pltpu.sync_copy(uidx_hbm.at[wid], idxu)
        pltpu.sync_copy(iidx_hbm.at[wid], idxi)

        for src, dst in ((idxu, rowu), (idxi, rowi)):
            @pl.loop(0, nchunk)
            def _(j):
                @pl.loop(0, IDX_CHUNK // L)
                def _(t):
                    sl = pl.ds(t * L, L)
                    u = src[j, sl]
                    r = (
                        lax.shift_left(lax.shift_right_logical(u, SH_T), SH_Q)
                        + lax.bitwise_and(u, QBLK - 1)
                    )
                    dst[j, sl] = r

        ngrp = SC_CHUNK // L
        half = bpw // SC_CHUNK

        @pl.loop(0, half)
        def _(c):
            copies = []
            for j in range(SC_CHUNK // IDX_CHUNK):
                jj = c * (SC_CHUNK // IDX_CHUNK) + j
                dst = urows.at[pl.ds(j * IDX_CHUNK, IDX_CHUNK)]
                copies.append(
                    pltpu.async_copy(uemb_hbm.at[rowu.at[jj]], dst, sem)
                )
                dst = vrows.at[pl.ds(j * IDX_CHUNK, IDX_CHUNK)]
                copies.append(
                    pltpu.async_copy(iemb_hbm.at[rowi.at[jj]], dst, sem)
                )
            for cp in copies:
                cp.wait()

            iota = lax.iota(jnp.int32, L)

            @pl.loop(0, ngrp)
            def _(g):
                row = g * L + iota
                pos = c * SC_CHUNK + g * L
                uvec = idxu[pos // IDX_CHUNK, pl.ds(pos % IDX_CHUNK, L)]
                ivec = idxi[pos // IDX_CHUNK, pl.ds(pos % IDX_CHUNK, L)]
                uoff = lax.shift_left(
                    lax.bitwise_and(lax.shift_right_logical(uvec, SH_Q), 3), 5
                )
                ioff = lax.shift_left(
                    lax.bitwise_and(lax.shift_right_logical(ivec, SH_Q), 3), 5
                )
                acc = jnp.zeros((L,), jnp.float32)
                for e in range(D):
                    col = iota + e
                    col = jnp.where(col >= D, col - D, col)
                    uu = plsc.load_gather(urows, [row, uoff + col])
                    vv = plsc.load_gather(vrows, [row, ioff + col])
                    acc = acc + uu * vv
                outv[pl.ds(pos, L)] = acc

        pltpu.sync_copy(outv, out_hbm.at[pl.ds(base, bpw)])

    return k(u_rm, i_rm, user_idx, item_idx)


def kernel(user, item, user_emb, item_emb):
    B = user.shape[0]
    D = user_emb.shape[1]
    bpw = B // NW
    nchunk = bpw // IDX_CHUNK
    uidx = user.astype(jnp.int32).reshape(NW, nchunk, IDX_CHUNK)
    iidx = item.astype(jnp.int32).reshape(NW, nchunk, IDX_CHUNK)
    return _mf_dot(uidx, iidx, user_emb.T, item_emb.T, B=B, D=D)

# --- scband reference (transcript-rebuilt; emitter-appended) ---
"""Pipeline reference for scband-matrix-factorization-7352984011333 (READ-ONLY COPY).

The authoritative reference and input builder live on the scoring server;
editing this copy changes nothing except your own understanding.
"""

import jax, jax.numpy as jnp
import numpy as np

NUM_USERS = 1000000
NUM_ITEMS = 1000000
EMB_SIZE = 32
BATCH = 16384


def setup_inputs(seed: int = 0) -> dict:
    key = jax.random.key(seed)
    k_user, k_item, k_ue, k_ie = jax.random.split(key, 4)
    user = jax.random.randint(k_user, (BATCH,), 0, NUM_USERS, dtype=jnp.int64) if jax.config.jax_enable_x64 else jax.random.randint(k_user, (BATCH,), 0, NUM_USERS).astype(jnp.int32)
    item = jax.random.randint(k_item, (BATCH,), 0, NUM_ITEMS).astype(user.dtype)
    # Learned parameters: embedding tables initialized uniform(0, 0.05) as in torch module
    user_emb = jax.random.uniform(k_ue, (NUM_USERS, EMB_SIZE), dtype=jnp.float32, minval=0.0, maxval=0.05)
    item_emb = jax.random.uniform(k_ie, (NUM_ITEMS, EMB_SIZE), dtype=jnp.float32, minval=0.0, maxval=0.05)
    return {"user": user, "item": item, "user_emb": user_emb, "item_emb": item_emb}


def reference(user, item, user_emb, item_emb):
    # Faithful translation of MatrixFactorization.forward:
    # (self.user_emb(user) * self.item_emb(item)).sum(1)
    u = jnp.take(user_emb, user, axis=0)  # [B, emb]
    v = jnp.take(item_emb, item, axis=0)  # [B, emb]
    return jnp.sum(u * v, axis=1)  # [B]

if __name__ == "__main__":
    import jax
    _d = setup_inputs()
    print(jax.jit(kernel)(*tuple(_d.values())))

</pallas_src>

<mosaic_0001>
#map = affine_map<(d0, d1) -> (0, 0)>
#map1 = affine_map<(d0, d1) -> (0, 0, 0)>
#map2 = affine_map<(d0, d1) -> (0)>
module attributes {stable_mosaic.version = 14 : i64} {
  func.func @k(%arg0: i32, %arg1: i32, %arg2: memref<253952x128xf32, #tpu.memory_space<hbm>>, %arg3: memref<253952x128xf32, #tpu.memory_space<hbm>>, %arg4: memref<32x4x128xi32, #tpu.memory_space<hbm>>, %arg5: memref<32x4x128xi32, #tpu.memory_space<hbm>>, %arg6: memref<16384xf32, #tpu.memory_space<hbm>>, %arg7: memref<4x128xi32, #tpu.memory_space<vmem>>, %arg8: memref<4x128xi32, #tpu.memory_space<vmem>>, %arg9: memref<4x128xi32, #tpu.memory_space<vmem>>, %arg10: memref<4x128xi32, #tpu.memory_space<vmem>>, %arg11: memref<256x128xf32, #tpu.memory_space<vmem>>, %arg12: memref<256x128xf32, #tpu.memory_space<vmem>>, %arg13: memref<512xf32, #tpu.memory_space<vmem>>, %arg14: memref<!tpu.dma_semaphore, #tpu.memory_space<semaphore_mem>>) attributes {dimension_semantics = [#tpu.dimension_semantics<core_parallel>, #tpu.dimension_semantics<subcore_parallel>], iteration_bounds = array<i64: 2, 16>, scalar_prefetch = 0 : i64, scratch_operands = 8 : i64, tpu.core_type = #tpu.core_type<sc_vector_subcore>, window_params = [{transform_indices = #map}, {transform_indices = #map}, {transform_indices = #map1}, {transform_indices = #map1}, {transform_indices = #map2}]} {
    %mul3A = arith.constant 2 : i32
    %mul3A_0 = arith.muli %arg1, %mul3A : i32
    %add3A = arith.addi %mul3A_0, %arg0 : i32
    %mul3A_1 = arith.constant 512 : i32
    %mul3A_2 = arith.muli %add3A, %mul3A_1 : i32
    "tpu.region"() ({
      %run_scoped3A = tpu.sem_alloc : memref<!tpu.dma_semaphore, #tpu.memory_space<semaphore_mem>>
      %dma_start3A = arith.constant 0 : i32
      %dma_start3A_17 = arith.constant 0 : i32
      %dma_start3A_18 = tpu.memref_slice %arg4[%add3A, %dma_start3A, %dma_start3A_17] : memref<32x4x128xi32, #tpu.memory_space<hbm>> -> memref<1x4x128xi32, #tpu.memory_space<hbm>>
      %dma_start3A_19 = tpu.memref_squeeze %dma_start3A_18 : memref<1x4x128xi32, #tpu.memory_space<hbm>> -> memref<4x128xi32, #tpu.memory_space<hbm>>
      %dma_start3A_20 = arith.constant 0 : i32
      %dma_start3A_21 = arith.constant 0 : i32
      %dma_start3A_22 = tpu.memref_slice %arg4[%add3A, %dma_start3A_20, %dma_start3A_21] : memref<32x4x128xi32, #tpu.memory_space<hbm>> -> memref<1x4x128xi32, #tpu.memory_space<hbm>>
      %dma_start3A_23 = tpu.memref_squeeze %dma_start3A_22 : memref<1x4x128xi32, #tpu.memory_space<hbm>> -> memref<4x128xi32, #tpu.memory_space<hbm>>
      tpu.enqueue_dma source(%dma_start3A_23 : memref<4x128xi32, #tpu.memory_space<hbm>>) target(%arg7 : memref<4x128xi32, #tpu.memory_space<vmem>>) target_semaphore(%run_scoped3A : memref<!tpu.dma_semaphore, #tpu.memory_space<semaphore_mem>>)
      %dma_wait3A = arith.constant 0 : i32
      %dma_wait3A_24 = arith.constant 0 : i32
      %dma_wait3A_25 = tpu.memref_slice %arg4[%add3A, %dma_wait3A, %dma_wait3A_24] : memref<32x4x128xi32, #tpu.memory_space<hbm>> -> memref<1x4x128xi32, #tpu.memory_space<hbm>>
      %dma_wait3A_26 = tpu.memref_squeeze %dma_wait3A_25 : memref<1x4x128xi32, #tpu.memory_space<hbm>> -> memref<4x128xi32, #tpu.memory_space<hbm>>
      %dma_wait3A_27 = arith.constant 0 : i32
      %dma_wait3A_28 = arith.constant 0 : i32
      %dma_wait3A_29 = tpu.memref_slice %arg4[%add3A, %dma_wait3A_27, %dma_wait3A_28] : memref<32x4x128xi32, #tpu.memory_space<hbm>> -> memref<1x4x128xi32, #tpu.memory_space<hbm>>
      %dma_wait3A_30 = tpu.memref_squeeze %dma_wait3A_29 : memref<1x4x128xi32, #tpu.memory_space<hbm>> -> memref<4x128xi32, #tpu.memory_space<hbm>>
      tpu.wait_dma2 semaphore(%run_scoped3A : memref<!tpu.dma_semaphore, #tpu.memory_space<semaphore_mem>>) src(%dma_wait3A_30 : memref<4x128xi32, #tpu.memory_space<hbm>>) dst(%arg7 : memref<4x128xi32, #tpu.memory_space<vmem>>)
      tpu.yield
    }) : () -> ()
    "tpu.region"() ({
      %run_scoped3A = tpu.sem_alloc : memref<!tpu.dma_semaphore, #tpu.memory_space<semaphore_mem>>
      %dma_start3A = arith.constant 0 : i32
      %dma_start3A_17 = arith.constant 0 : i32
      %dma_start3A_18 = tpu.memref_slice %arg5[%add3A, %dma_start3A, %dma_start3A_17] : memref<32x4x128xi32, #tpu.memory_space<hbm>> -> memref<1x4x128xi32, #tpu.memory_space<hbm>>
      %dma_start3A_19 = tpu.memref_squeeze %dma_start3A_18 : memref<1x4x128xi32, #tpu.memory_space<hbm>> -> memref<4x128xi32, #tpu.memory_space<hbm>>
      %dma_start3A_20 = arith.constant 0 : i32
      %dma_start3A_21 = arith.constant 0 : i32
      %dma_start3A_22 = tpu.memref_slice %arg5[%add3A, %dma_start3A_20, %dma_start3A_21] : memref<32x4x128xi32, #tpu.memory_space<hbm>> -> memref<1x4x128xi32, #tpu.memory_space<hbm>>
      %dma_start3A_23 = tpu.memref_squeeze %dma_start3A_22 : memref<1x4x128xi32, #tpu.memory_space<hbm>> -> memref<4x128xi32, #tpu.memory_space<hbm>>
      tpu.enqueue_dma source(%dma_start3A_23 : memref<4x128xi32, #tpu.memory_space<hbm>>) target(%arg8 : memref<4x128xi32, #tpu.memory_space<vmem>>) target_semaphore(%run_scoped3A : memref<!tpu.dma_semaphore, #tpu.memory_space<semaphore_mem>>)
      %dma_wait3A = arith.constant 0 : i32
      %dma_wait3A_24 = arith.constant 0 : i32
      %dma_wait3A_25 = tpu.memref_slice %arg5[%add3A, %dma_wait3A, %dma_wait3A_24] : memref<32x4x128xi32, #tpu.memory_space<hbm>> -> memref<1x4x128xi32, #tpu.memory_space<hbm>>
      %dma_wait3A_26 = tpu.memref_squeeze %dma_wait3A_25 : memref<1x4x128xi32, #tpu.memory_space<hbm>> -> memref<4x128xi32, #tpu.memory_space<hbm>>
      %dma_wait3A_27 = arith.constant 0 : i32
      %dma_wait3A_28 = arith.constant 0 : i32
      %dma_wait3A_29 = tpu.memref_slice %arg5[%add3A, %dma_wait3A_27, %dma_wait3A_28] : memref<32x4x128xi32, #tpu.memory_space<hbm>> -> memref<1x4x128xi32, #tpu.memory_space<hbm>>
      %dma_wait3A_30 = tpu.memref_squeeze %dma_wait3A_29 : memref<1x4x128xi32, #tpu.memory_space<hbm>> -> memref<4x128xi32, #tpu.memory_space<hbm>>
      tpu.wait_dma2 semaphore(%run_scoped3A : memref<!tpu.dma_semaphore, #tpu.memory_space<semaphore_mem>>) src(%dma_wait3A_30 : memref<4x128xi32, #tpu.memory_space<hbm>>) dst(%arg8 : memref<4x128xi32, #tpu.memory_space<vmem>>)
      tpu.yield
    }) : () -> ()
    %scan3A = arith.constant 0 : i32
    %scan3A_3 = arith.constant 4 : i32
    %scan3A_4 = arith.addi %scan3A, %scan3A_3 : i32
    %scan3A_5 = arith.constant 1 : i32
    scf.for %scan3A_17 = %scan3A to %scan3A_4 step %scan3A_5  : i32 {
      %mul3A_18 = arith.constant 1 : i32
      %mul3A_19 = arith.muli %scan3A_17, %mul3A_18 : i32
      %add3A_20 = arith.constant 0 : i32
      %add3A_21 = arith.addi %add3A_20, %mul3A_19 : i32
      %scan3A_22 = arith.constant 0 : i32
      %scan3A_23 = arith.constant 8 : i32
      %scan3A_24 = arith.addi %scan3A_22, %scan3A_23 : i32
      %scan3A_25 = arith.constant 1 : i32
      scf.for %scan3A_27 = %scan3A_22 to %scan3A_24 step %scan3A_25  : i32 {
        %mul3A_28 = arith.constant 1 : i32
        %mul3A_29 = arith.muli %scan3A_27, %mul3A_28 : i32
        %add3A_30 = arith.constant 0 : i32
        %add3A_31 = arith.addi %add3A_30, %mul3A_29 : i32
        %mul3A_32 = arith.constant 16 : i32
        %mul3A_33 = arith.muli %add3A_31, %mul3A_32 : i32
        %get3A = arith.index_cast %add3A_21 : i32 to index
        %get3A_34 = arith.index_cast %mul3A_33 : i32 to index
        %get3A_35 = tpu.vector_load %arg7[%get3A, %get3A_34] {strides = array<i32>} : memref<4x128xi32, #tpu.memory_space<vmem>>, vector<16xi32>,
        %shift_right_logical3A = arith.constant 15 : i32
        %shift_right_logical3A_36 = vector.broadcast %shift_right_logical3A : i32 to vector<16xi32>
        %shift_right_logical3A_37 = arith.shrui %get3A_35, %shift_right_logical3A_36 : vector<16xi32>
        %shift_left3A = arith.constant 13 : i32
        %shift_left3A_38 = vector.broadcast %shift_left3A : i32 to vector<16xi32>
        %shift_left3A_39 = arith.shli %shift_right_logical3A_37, %shift_left3A_38 : vector<16xi32>
        %and3A = arith.constant 8191 : i32
        %and3A_40 = vector.broadcast %and3A : i32 to vector<16xi32>
        %and3A_41 = arith.andi %get3A_35, %and3A_40 : vector<16xi32>
        %add3A_42 = arith.addi %shift_left3A_39, %and3A_41 : vector<16xi32>
        %swap3A = arith.index_cast %add3A_21 : i32 to index
        %swap3A_43 = arith.index_cast %mul3A_33 : i32 to index
        %swap3A_44 = tpu.vector_load %arg9[%swap3A, %swap3A_43] {strides = array<i32>} : memref<4x128xi32, #tpu.memory_space<vmem>>, vector<16xi32>,
        tpu.vector_store %arg9[%swap3A, %swap3A_43], %add3A_42 {strides = array<i32>} : memref<4x128xi32, #tpu.memory_space<vmem>>, vector<16xi32>,
      }
      %scan3A_26 = arith.constant 8 : i32
    }
    %scan3A_6 = arith.constant 4 : i32
    %scan3A_7 = arith.constant 0 : i32
    %scan3A_8 = arith.constant 4 : i32
    %scan3A_9 = arith.addi %scan3A_7, %scan3A_8 : i32
    %scan3A_10 = arith.constant 1 : i32
    scf.for %scan3A_17 = %scan3A_7 to %scan3A_9 step %scan3A_10  : i32 {
      %mul3A_18 = arith.constant 1 : i32
      %mul3A_19 = arith.muli %scan3A_17, %mul3A_18 : i32
      %add3A_20 = arith.constant 0 : i32
      %add3A_21 = arith.addi %add3A_20, %mul3A_19 : i32
      %scan3A_22 = arith.constant 0 : i32
      %scan3A_23 = arith.constant 8 : i32
      %scan3A_24 = arith.addi %scan3A_22, %scan3A_23 : i32
      %scan3A_25 = arith.constant 1 : i32
      scf.for %scan3A_27 = %scan3A_22 to %scan3A_24 step %scan3A_25  : i32 {
        %mul3A_28 = arith.constant 1 : i32
        %mul3A_29 = arith.muli %scan3A_27, %mul3A_28 : i32
        %add3A_30 = arith.constant 0 : i32
        %add3A_31 = arith.addi %add3A_30, %mul3A_29 : i32
        %mul3A_32 = arith.constant 16 : i32
        %mul3A_33 = arith.muli %add3A_31, %mul3A_32 : i32
        %get3A = arith.index_cast %add3A_21 : i32 to index
        %get3A_34 = arith.index_cast %mul3A_33 : i32 to index
        %get3A_35 = tpu.vector_load %arg8[%get3A, %get3A_34] {strides = array<i32>} : memref<4x128xi32, #tpu.memory_space<vmem>>, vector<16xi32>,
        %shift_right_logical3A = arith.constant 15 : i32
        %shift_right_logical3A_36 = vector.broadcast %shift_right_logical3A : i32 to vector<16xi32>
        %shift_right_logical3A_37 = arith.shrui %get3A_35, %shift_right_logical3A_36 : vector<16xi32>
        %shift_left3A = arith.constant 13 : i32
        %shift_left3A_38 = vector.broadcast %shift_left3A : i32 to vector<16xi32>
        %shift_left3A_39 = arith.shli %shift_right_logical3A_37, %shift_left3A_38 : vector<16xi32>
        %and3A = arith.constant 8191 : i32
        %and3A_40 = vector.broadcast %and3A : i32 to vector<16xi32>
        %and3A_41 = arith.andi %get3A_35, %and3A_40 : vector<16xi32>
        %add3A_42 = arith.addi %shift_left3A_39, %and3A_41 : vector<16xi32>
        %swap3A = arith.index_cast %add3A_21 : i32 to index
        %swap3A_43 = arith.index_cast %mul3A_33 : i32 to index
        %swap3A_44 = tpu.vector_load %arg10[%swap3A, %swap3A_43] {strides = array<i32>} : memref<4x128xi32, #tpu.memory_space<vmem>>, vector<16xi32>,
        tpu.vector_store %arg10[%swap3A, %swap3A_43], %add3A_42 {strides = array<i32>} : memref<4x128xi32, #tpu.memory_space<vmem>>, vector<16xi32>,
      }
      %scan3A_26 = arith.constant 8 : i32
    }
    %scan3A_11 = arith.constant 4 : i32
    %scan3A_12 = arith.constant 0 : i32
    %scan3A_13 = arith.constant 2 : i32
    %scan3A_14 = arith.addi %scan3A_12, %scan3A_13 : i32
    %scan3A_15 = arith.constant 1 : i32
    scf.for %scan3A_17 = %scan3A_12 to %scan3A_14 step %scan3A_15  : i32 {
      %mul3A_18 = arith.constant 1 : i32
      %mul3A_19 = arith.muli %scan3A_17, %mul3A_18 : i32
      %add3A_20 = arith.constant 0 : i32
      %add3A_21 = arith.addi %add3A_20, %mul3A_19 : i32
      %mul3A_22 = arith.constant 2 : i32
      %mul3A_23 = arith.muli %add3A_21, %mul3A_22 : i32
      %add3A_24 = arith.constant 0 : i32
      %add3A_25 = arith.addi %mul3A_23, %add3A_24 : i32
      %dma_start3A = arith.constant 0 : i32
      %dma_start3A_26 = arith.constant 0 : i32
      %dma_start3A_27 = tpu.memref_slice %arg11[%dma_start3A, %dma_start3A_26] : memref<256x128xf32, #tpu.memory_space<vmem>> -> memref<128x128xf32, #tpu.memory_space<vmem>>
      %dma_start3A_28 = arith.constant 0 : i32
      %dma_start3A_29 = tpu.memref_slice %arg9[%add3A_25, %dma_start3A_28] : memref<4x128xi32, #tpu.memory_space<vmem>> -> memref<1x128xi32, #tpu.memory_space<vmem>>
      %dma_start3A_30 = tpu.memref_squeeze %dma_start3A_29 : memref<1x128xi32, #tpu.memory_space<vmem>> -> memref<128xi32, #tpu.memory_space<vmem>>
      %dma_start3A_31 = arith.constant 0 : i32
      %dma_start3A_32 = arith.constant 0 : i32
      %dma_start3A_33 = tpu.memref_slice %arg2[%dma_start3A_31, %dma_start3A_32] : memref<253952x128xf32, #tpu.memory_space<hbm>> -> memref<253952x128xf32, #tpu.memory_space<hbm>>
      tpu.enqueue_indirect_dma source(%dma_start3A_33 : memref<253952x128xf32, #tpu.memory_space<hbm>>) target(%dma_start3A_27 : memref<128x128xf32, #tpu.memory_space<vmem>>) offsets(%dma_start3A_30 : memref<128xi32, #tpu.memory_space<vmem>>) semaphore(%arg14 : memref<!tpu.dma_semaphore, #tpu.memory_space<semaphore_mem>>)
      %dma_start3A_34 = arith.constant 0 : i32
      %dma_start3A_35 = arith.constant 0 : i32
      %dma_start3A_36 = tpu.memref_slice %arg12[%dma_start3A_34, %dma_start3A_35] : memref<256x128xf32, #tpu.memory_space<vmem>> -> memref<128x128xf32, #tpu.memory_space<vmem>>
      %dma_start3A_37 = arith.constant 0 : i32
      %dma_start3A_38 = tpu.memref_slice %arg10[%add3A_25, %dma_start3A_37] : memref<4x128xi32, #tpu.memory_space<vmem>> -> memref<1x128xi32, #tpu.memory_space<vmem>>
      %dma_start3A_39 = tpu.memref_squeeze %dma_start3A_38 : memref<1x128xi32, #tpu.memory_space<vmem>> -> memref<128xi32, #tpu.memory_space<vmem>>
      %dma_start3A_40 = arith.constant 0 : i32
      %dma_start3A_41 = arith.constant 0 : i32
      %dma_start3A_42 = tpu.memref_slice %arg3[%dma_start3A_40, %dma_start3A_41] : memref<253952x128xf32, #tpu.memory_space<hbm>> -> memref<253952x128xf32, #tpu.memory_space<hbm>>
      tpu.enqueue_indirect_dma source(%dma_start3A_42 : memref<253952x128xf32, #tpu.memory_space<hbm>>) target(%dma_start3A_36 : memref<128x128xf32, #tpu.memory_space<vmem>>) offsets(%dma_start3A_39 : memref<128xi32, #tpu.memory_space<vmem>>) semaphore(%arg14 : memref<!tpu.dma_semaphore, #tpu.memory_space<semaphore_mem>>)
      %mul3A_43 = arith.constant 2 : i32
      %mul3A_44 = arith.muli %add3A_21, %mul3A_43 : i32
      %add3A_45 = arith.constant 1 : i32
      %add3A_46 = arith.addi %mul3A_44, %add3A_45 : i32
      %dma_start3A_47 = arith.constant 128 : i32
      %dma_start3A_48 = arith.constant 0 : i32
      %dma_start3A_49 = tpu.memref_slice %arg11[%dma_start3A_47, %dma_start3A_48] : memref<256x128xf32, #tpu.memory_space<vmem>> -> memref<128x128xf32, #tpu.memory_space<vmem>>
      %dma_start3A_50 = arith.constant 0 : i32
      %dma_start3A_51 = tpu.memref_slice %arg9[%add3A_46, %dma_start3A_50] : memref<4x128xi32, #tpu.memory_space<vmem>> -> memref<1x128xi32, #tpu.memory_space<vmem>>
      %dma_start3A_52 = tpu.memref_squeeze %dma_start3A_51 : memref<1x128xi32, #tpu.memory_space<vmem>> -> memref<128xi32, #tpu.memory_space<vmem>>
      %dma_start3A_53 = arith.constant 0 : i32
      %dma_start3A_54 = arith.constant 0 : i32
      %dma_start3A_55 = tpu.memref_slice %arg2[%dma_start3A_53, %dma_start3A_54] : memref<253952x128xf32, #tpu.memory_space<hbm>> -> memref<253952x128xf32, #tpu.memory_space<hbm>>
      tpu.enqueue_indirect_dma source(%dma_start3A_55 : memref<253952x128xf32, #tpu.memory_space<hbm>>) target(%dma_start3A_49 : memref<128x128xf32, #tpu.memory_space<vmem>>) offsets(%dma_start3A_52 : memref<128xi32, #tpu.memory_space<vmem>>) semaphore(%arg14 : memref<!tpu.dma_semaphore, #tpu.memory_space<semaphore_mem>>)
      %dma_start3A_56 = arith.constant 128 : i32
      %dma_start3A_57 = arith.constant 0 : i32
      %dma_start3A_58 = tpu.memref_slice %arg12[%dma_start3A_56, %dma_start3A_57] : memref<256x128xf32, #tpu.memory_space<vmem>> -> memref<128x128xf32, #tpu.memory_space<vmem>>
      %dma_start3A_59 = arith.constant 0 : i32
      %dma_start3A_60 = tpu.memref_slice %arg10[%add3A_46, %dma_start3A_59] : memref<4x128xi32, #tpu.memory_space<vmem>> -> memref<1x128xi32, #tpu.memory_space<vmem>>
      %dma_start3A_61 = tpu.memref_squeeze %dma_start3A_60 : memref<1x128xi32, #tpu.memory_space<vmem>> -> memref<128xi32, #tpu.memory_space<vmem>>
      %dma_start3A_62 = arith.constant 0 : i32
      %dma_start3A_63 = arith.constant 0 : i32
      %dma_start3A_64 = tpu.memref_slice %arg3[%dma_start3A_62, %dma_start3A_63] : memref<253952x128xf32, #tpu.memory_space<hbm>> -> memref<253952x128xf32, #tpu.memory_space<hbm>>
      tpu.enqueue_indirect_dma source(%dma_start3A_64 : memref<253952x128xf32, #tpu.memory_space<hbm>>) target(%dma_start3A_58 : memref<128x128xf32, #tpu.memory_space<vmem>>) offsets(%dma_start3A_61 : memref<128xi32, #tpu.memory_space<vmem>>) semaphore(%arg14 : memref<!tpu.dma_semaphore, #tpu.memory_space<semaphore_mem>>)
      %dma_wait3A = arith.constant 0 : i32
      %dma_wait3A_65 = arith.constant 0 : i32
      %dma_wait3A_66 = tpu.memref_slice %arg11[%dma_wait3A, %dma_wait3A_65] : memref<256x128xf32, #tpu.memory_space<vmem>> -> memref<128x128xf32, #tpu.memory_space<vmem>>
      %dma_wait3A_67 = arith.constant 0 : i32
      %dma_wait3A_68 = tpu.memref_slice %arg9[%add3A_25, %dma_wait3A_67] : memref<4x128xi32, #tpu.memory_space<vmem>> -> memref<1x128xi32, #tpu.memory_space<vmem>>
      %dma_wait3A_69 = tpu.memref_squeeze %dma_wait3A_68 : memref<1x128xi32, #tpu.memory_space<vmem>> -> memref<128xi32, #tpu.memory_space<vmem>>
      %dma_wait3A_70 = arith.constant 0 : i32
      %dma_wait3A_71 = arith.constant 0 : i32
      %dma_wait3A_72 = tpu.memref_slice %arg2[%dma_wait3A_70, %dma_wait3A_71] : memref<253952x128xf32, #tpu.memory_space<hbm>> -> memref<253952x128xf32, #tpu.memory_space<hbm>>
      tpu.wait_indirect_dma semaphore(%arg14 : memref<!tpu.dma_semaphore, #tpu.memory_space<semaphore_mem>>) src(%dma_wait3A_72 : memref<253952x128xf32, #tpu.memory_space<hbm>>) dst(%dma_wait3A_66 : memref<128x128xf32, #tpu.memory_space<vmem>>)
      %dma_wait3A_73 = arith.constant 0 : i32
      %dma_wait3A_74 = arith.constant 0 : i32
      %dma_wait3A_75 = tpu.memref_slice %arg12[%dma_wait3A_73, %dma_wait3A_74] : memref<256x128xf32, #tpu.memory_space<vmem>> -> memref<128x128xf32, #tpu.memory_space<vmem>>
      %dma_wait3A_76 = arith.constant 0 : i32
      %dma_wait3A_77 = tpu.memref_slice %arg10[%add3A_25, %dma_wait3A_76] : memref<4x128xi32, #tpu.memory_space<vmem>> -> memref<1x128xi32, #tpu.memory_space<vmem>>
      %dma_wait3A_78 = tpu.memref_squeeze %dma_wait3A_77 : memref<1x128xi32, #tpu.memory_space<vmem>> -> memref<128xi32, #tpu.memory_space<vmem>>
      %dma_wait3A_79 = arith.constant 0 : i32
      %dma_wait3A_80 = arith.constant 0 : i32
      %dma_wait3A_81 = tpu.memref_slice %arg3[%dma_wait3A_79, %dma_wait3A_80] : memref<253952x128xf32, #tpu.memory_space<hbm>> -> memref<253952x128xf32, #tpu.memory_space<hbm>>
      tpu.wait_indirect_dma semaphore(%arg14 : memref<!tpu.dma_semaphore, #tpu.memory_space<semaphore_mem>>) src(%dma_wait3A_81 : memref<253952x128xf32, #tpu.memory_space<hbm>>) dst(%dma_wait3A_75 : memref<128x128xf32, #tpu.memory_space<vmem>>)
      %dma_wait3A_82 = arith.constant 128 : i32
      %dma_wait3A_83 = arith.constant 0 : i32
      %dma_wait3A_84 = tpu.memref_slice %arg11[%dma_wait3A_82, %dma_wait3A_83] : memref<256x128xf32, #tpu.memory_space<vmem>> -> memref<128x128xf32, #tpu.memory_space<vmem>>
      %dma_wait3A_85 = arith.constant 0 : i32
      %dma_wait3A_86 = tpu.memref_slice %arg9[%add3A_46, %dma_wait3A_85] : memref<4x128xi32, #tpu.memory_space<vmem>> -> memref<1x128xi32, #tpu.memory_space<vmem>>
      %dma_wait3A_87 = tpu.memref_squeeze %dma_wait3A_86 : memref<1x128xi32, #tpu.memory_space<vmem>> -> memref<128xi32, #tpu.memory_space<vmem>>
      %dma_wait3A_88 = arith.constant 0 : i32
      %dma_wait3A_89 = arith.constant 0 : i32
      %dma_wait3A_90 = tpu.memref_slice %arg2[%dma_wait3A_88, %dma_wait3A_89] : memref<253952x128xf32, #tpu.memory_space<hbm>> -> memref<253952x128xf32, #tpu.memory_space<hbm>>
      tpu.wait_indirect_dma semaphore(%arg14 : memref<!tpu.dma_semaphore, #tpu.memory_space<semaphore_mem>>) src(%dma_wait3A_90 : memref<253952x128xf32, #tpu.memory_space<hbm>>) dst(%dma_wait3A_84 : memref<128x128xf32, #tpu.memory_space<vmem>>)
      %dma_wait3A_91 = arith.constant 128 : i32
      %dma_wait3A_92 = arith.constant 0 : i32
      %dma_wait3A_93 = tpu.memref_slice %arg12[%dma_wait3A_91, %dma_wait3A_92] : memref<256x128xf32, #tpu.memory_space<vmem>> -> memref<128x128xf32, #tpu.memory_space<vmem>>
      %dma_wait3A_94 = arith.constant 0 : i32
      %dma_wait3A_95 = tpu.memref_slice %arg10[%add3A_46, %dma_wait3A_94] : memref<4x128xi32, #tpu.memory_space<vmem>> -> memref<1x128xi32, #tpu.memory_space<vmem>>
      %dma_wait3A_96 = tpu.memref_squeeze %dma_wait3A_95 : memref<1x128xi32, #tpu.memory_space<vmem>> -> memref<128xi32, #tpu.memory_space<vmem>>
      %dma_wait3A_97 = arith.constant 0 : i32
      %dma_wait3A_98 = arith.constant 0 : i32
      %dma_wait3A_99 = tpu.memref_slice %arg3[%dma_wait3A_97, %dma_wait3A_98] : memref<253952x128xf32, #tpu.memory_space<hbm>> -> memref<253952x128xf32, #tpu.memory_space<hbm>>
      tpu.wait_indirect_dma semaphore(%arg14 : memref<!tpu.dma_semaphore, #tpu.memory_space<semaphore_mem>>) src(%dma_wait3A_99 : memref<253952x128xf32, #tpu.memory_space<hbm>>) dst(%dma_wait3A_93 : memref<128x128xf32, #tpu.memory_space<vmem>>)
      %iota3A = tpu.iota {dimensions = array<i32: 0>} : vector<16xi32>
      %scan3A_100 = arith.constant 0 : i32
      %scan3A_101 = arith.constant 16 : i32
      %scan3A_102 = arith.addi %scan3A_100, %scan3A_101 : i32
      %scan3A_103 = arith.constant 1 : i32
      scf.for %scan3A_105 = %scan3A_100 to %scan3A_102 step %scan3A_103  : i32 {
        %mul3A_106 = arith.constant 1 : i32
        %mul3A_107 = arith.muli %scan3A_105, %mul3A_106 : i32
        %add3A_108 = arith.constant 0 : i32
        %add3A_109 = arith.addi %add3A_108, %mul3A_107 : i32
        %mul3A_110 = arith.constant 16 : i32
        %mul3A_111 = arith.muli %add3A_109, %mul3A_110 : i32
        %add3A_112 = vector.broadcast %mul3A_111 : i32 to vector<16xi32>
        %add3A_113 = arith.addi %add3A_112, %iota3A : vector<16xi32>
        %mul3A_114 = arith.constant 256 : i32
        %mul3A_115 = arith.muli %add3A_21, %mul3A_114 : i32
        %mul3A_116 = arith.constant 16 : i32
        %mul3A_117 = arith.muli %add3A_109, %mul3A_116 : i32
        %add3A_118 = arith.addi %mul3A_115, %mul3A_117 : i32
        %jit3A = arith.constant 128 : i32
        %div3A = arith.divsi %add3A_118, %jit3A : i32
        %sign3A = arith.constant 0 : i32
        %sign3A_119 = arith.cmpi sgt, %add3A_118, %sign3A : i32
        %sign3A_120 = arith.extui %sign3A_119 : i1 to i32
        %sign3A_121 = arith.constant 0 : i32
        %sign3A_122 = arith.cmpi slt, %add3A_118, %sign3A_121 : i32
        %sign3A_123 = arith.extui %sign3A_122 : i1 to i32
        %sign3A_124 = arith.subi %sign3A_120, %sign3A_123 : i32
        %sign3A_125 = arith.constant 0 : i32
        %sign3A_126 = arith.cmpi sgt, %jit3A, %sign3A_125 : i32
        %sign3A_127 = arith.extui %sign3A_126 : i1 to i32
        %sign3A_128 = arith.constant 0 : i32
        %sign3A_129 = arith.cmpi slt, %jit3A, %sign3A_128 : i32
        %sign3A_130 = arith.extui %sign3A_129 : i1 to i32
        %sign3A_131 = arith.subi %sign3A_127, %sign3A_130 : i32
        %ne3A = arith.cmpi ne, %sign3A_124, %sign3A_131 : i32
        %rem3A = arith.remsi %add3A_118, %jit3A : i32
        %ne3A_132 = arith.constant 0 : i32
        %ne3A_133 = arith.cmpi ne, %rem3A, %ne3A_132 : i32
        %and3A = arith.andi %ne3A, %ne3A_133 : i1
        %sub3A = arith.constant 1 : i32
        %sub3A_134 = arith.subi %div3A, %sub3A : i32
        %select_n3A = arith.select %and3A, %sub3A_134, %div3A : i32
        %jit3A_135 = arith.constant 128 : i32
        %eq3A = arith.constant 0 : i32
        %eq3A_136 = arith.cmpi eq, %jit3A_135, %eq3A : i32
        %jit3A_137 = arith.constant 1 : i32
        %select_n3A_138 = arith.select %eq3A_136, %jit3A_137, %jit3A_135 : i32
        %rem3A_139 = arith.remsi %add3A_118, %select_n3A_138 : i32
        %ne3A_140 = arith.constant 0 : i32
        %ne3A_141 = arith.cmpi ne, %rem3A_139, %ne3A_140 : i32
        %lt3A = arith.constant 0 : i32
        %lt3A_142 = arith.cmpi slt, %rem3A_139, %lt3A : i32
        %lt3A_143 = arith.constant 0 : i32
        %lt3A_144 = arith.cmpi slt, %select_n3A_138, %lt3A_143 : i32
        %ne3A_145 = arith.xori %lt3A_142, %lt3A_144 : i1
        %and3A_146 = arith.andi %ne3A_145, %ne3A_141 : i1
        %add3A_147 = arith.addi %rem3A_139, %select_n3A_138 : i32
        %select_n3A_148 = arith.select %and3A_146, %add3A_147, %rem3A_139 : i32
        %get3A = arith.index_cast %select_n3A : i32 to index
        %get3A_149 = arith.index_cast %select_n3A_148 : i32 to index
        %get3A_150 = tpu.vector_load %arg7[%get3A, %get3A_149] {strides = array<i32>} : memref<4x128xi32, #tpu.memory_space<vmem>>, vector<16xi32>,
        %jit3A_151 = arith.constant 128 : i32
        %div3A_152 = arith.divsi %add3A_118, %jit3A_151 : i32
        %sign3A_153 = arith.constant 0 : i32
        %sign3A_154 = arith.cmpi sgt, %add3A_118, %sign3A_153 : i32
        %sign3A_155 = arith.extui %sign3A_154 : i1 to i32
        %sign3A_156 = arith.constant 0 : i32
        %sign3A_157 = arith.cmpi slt, %add3A_118, %sign3A_156 : i32
        %sign3A_158 = arith.extui %sign3A_157 : i1 to i32
        %sign3A_159 = arith.subi %sign3A_155, %sign3A_158 : i32
        %sign3A_160 = arith.constant 0 : i32
        %sign3A_161 = arith.cmpi sgt, %jit3A_151, %sign3A_160 : i32
        %sign3A_162 = arith.extui %sign3A_161 : i1 to i32
        %sign3A_163 = arith.constant 0 : i32
        %sign3A_164 = arith.cmpi slt, %jit3A_151, %sign3A_163 : i32
        %sign3A_165 = arith.extui %sign3A_164 : i1 to i32
        %sign3A_166 = arith.subi %sign3A_162, %sign3A_165 : i32
        %ne3A_167 = arith.cmpi ne, %sign3A_159, %sign3A_166 : i32
        %rem3A_168 = arith.remsi %add3A_118, %jit3A_151 : i32
        %ne3A_169 = arith.constant 0 : i32
        %ne3A_170 = arith.cmpi ne, %rem3A_168, %ne3A_169 : i32
        %and3A_171 = arith.andi %ne3A_167, %ne3A_170 : i1
        %sub3A_172 = arith.constant 1 : i32
        %sub3A_173 = arith.subi %div3A_152, %sub3A_172 : i32
        %select_n3A_174 = arith.select %and3A_171, %sub3A_173, %div3A_152 : i32
        %jit3A_175 = arith.constant 128 : i32
        %eq3A_176 = arith.constant 0 : i32
        %eq3A_177 = arith.cmpi eq, %jit3A_175, %eq3A_176 : i32
        %jit3A_178 = arith.constant 1 : i32
        %select_n3A_179 = arith.select %eq3A_177, %jit3A_178, %jit3A_175 : i32
        %rem3A_180 = arith.remsi %add3A_118, %select_n3A_179 : i32
        %ne3A_181 = arith.constant 0 : i32
        %ne3A_182 = arith.cmpi ne, %rem3A_180, %ne3A_181 : i32
        %lt3A_183 = arith.constant 0 : i32
        %lt3A_184 = arith.cmpi slt, %rem3A_180, %lt3A_183 : i32
        %lt3A_185 = arith.constant 0 : i32
        %lt3A_186 = arith.cmpi slt, %select_n3A_179, %lt3A_185 : i32
        %ne3A_187 = arith.xori %lt3A_184, %lt3A_186 : i1
        %and3A_188 = arith.andi %ne3A_187, %ne3A_182 : i1
        %add3A_189 = arith.addi %rem3A_180, %select_n3A_179 : i32
        %select_n3A_190 = arith.select %and3A_188, %add3A_189, %rem3A_180 : i32
        %get3A_191 = arith.index_cast %select_n3A_174 : i32 to index
        %get3A_192 = arith.index_cast %select_n3A_190 : i32 to index
        %get3A_193 = tpu.vector_load %arg8[%get3A_191, %get3A_192] {strides = array<i32>} : memref<4x128xi32, #tpu.memory_space<vmem>>, vector<16xi32>,
        %shift_right_logical3A = arith.constant 13 : i32
        %shift_right_logical3A_194 = vector.broadcast %shift_right_logical3A : i32 to vector<16xi32>
        %shift_right_logical3A_195 = arith.shrui %get3A_150, %shift_right_logical3A_194 : vector<16xi32>
        %and3A_196 = arith.constant 3 : i32
        %and3A_197 = vector.broadcast %and3A_196 : i32 to vector<16xi32>
        %and3A_198 = arith.andi %shift_right_logical3A_195, %and3A_197 : vector<16xi32>
        %shift_left3A = arith.constant 5 : i32
        %shift_left3A_199 = vector.broadcast %shift_left3A : i32 to vector<16xi32>
        %shift_left3A_200 = arith.shli %and3A_198, %shift_left3A_199 : vector<16xi32>
        %shift_right_logical3A_201 = arith.constant 13 : i32
        %shift_right_logical3A_202 = vector.broadcast %shift_right_logical3A_201 : i32 to vector<16xi32>
        %shift_right_logical3A_203 = arith.shrui %get3A_193, %shift_right_logical3A_202 : vector<16xi32>
        %and3A_204 = arith.constant 3 : i32
        %and3A_205 = vector.broadcast %and3A_204 : i32 to vector<16xi32>
        %and3A_206 = arith.andi %shift_right_logical3A_203, %and3A_205 : vector<16xi32>
        %shift_left3A_207 = arith.constant 5 : i32
        %shift_left3A_208 = vector.broadcast %shift_left3A_207 : i32 to vector<16xi32>
        %shift_left3A_209 = arith.shli %and3A_206, %shift_left3A_208 : vector<16xi32>
        %broadcast_in_dim3A = arith.constant 0.000000e+00 : f32
        %broadcast_in_dim3A_210 = vector.broadcast %broadcast_in_dim3A : f32 to vector<16xf32>
        %add3A_211 = arith.constant 0 : i32
        %add3A_212 = vector.broadcast %add3A_211 : i32 to vector<16xi32>
        %add3A_213 = arith.addi %iota3A, %add3A_212 : vector<16xi32>
        %ge3A = arith.constant 32 : i32
        %ge3A_214 = vector.broadcast %ge3A : i32 to vector<16xi32>
        %ge3A_215 = arith.cmpi sge, %add3A_213, %ge3A_214 : vector<16xi32>
        %sub3A_216 = arith.constant 32 : i32
        %sub3A_217 = vector.broadcast %sub3A_216 : i32 to vector<16xi32>
        %sub3A_218 = arith.subi %add3A_213, %sub3A_217 : vector<16xi32>
        %select_n3A_219 = arith.select %ge3A_215, %sub3A_218, %add3A_213 : vector<16xi1>, vector<16xi32>
        %add3A_220 = arith.addi %shift_left3A_200, %select_n3A_219 : vector<16xi32>
        %gather3A = tpu.vector_load_idx %arg11[%add3A_113, %add3A_220] : memref<256x128xf32, #tpu.memory_space<vmem>>[vector<16xi32>, vector<16xi32>], vector<16xf32>,
        %add3A_221 = arith.addi %shift_left3A_209, %select_n3A_219 : vector<16xi32>
        %gather3A_222 = tpu.vector_load_idx %arg12[%add3A_113, %add3A_221] : memref<256x128xf32, #tpu.memory_space<vmem>>[vector<16xi32>, vector<16xi32>], vector<16xf32>,
        %mul3A_223 = arith.mulf %gather3A, %gather3A_222 : vector<16xf32>
        %add3A_224 = arith.addf %broadcast_in_dim3A_210, %mul3A_223 : vector<16xf32>
        %add3A_225 = arith.constant 1 : i32
        %add3A_226 = vector.broadcast %add3A_225 : i32 to vector<16xi32>
        %add3A_227 = arith.addi %iota3A, %add3A_226 : vector<16xi32>
        %ge3A_228 = arith.constant 32 : i32
        %ge3A_229 = vector.broadcast %ge3A_228 : i32 to vector<16xi32>
        %ge3A_230 = arith.cmpi sge, %add3A_227, %ge3A_229 : vector<16xi32>
        %sub3A_231 = arith.constant 32 : i32
        %sub3A_232 = vector.broadcast %sub3A_231 : i32 to vector<16xi32>
        %sub3A_233 = arith.subi %add3A_227, %sub3A_232 : vector<16xi32>
        %select_n3A_234 = arith.select %ge3A_230, %sub3A_233, %add3A_227 : vector<16xi1>, vector<16xi32>
        %add3A_235 = arith.addi %shift_left3A_200, %select_n3A_234 : vector<16xi32>
        %gather3A_236 = tpu.vector_load_idx %arg11[%add3A_113, %add3A_235] : memref<256x128xf32, #tpu.memory_space<vmem>>[vector<16xi32>, vector<16xi32>], vector<16xf32>,
        %add3A_237 = arith.addi %shift_left3A_209, %select_n3A_234 : vector<16xi32>
        %gather3A_238 = tpu.vector_load_idx %arg12[%add3A_113, %add3A_237] : memref<256x128xf32, #tpu.memory_space<vmem>>[vector<16xi32>, vector<16xi32>], vector<16xf32>,
        %mul3A_239 = arith.mulf %gather3A_236, %gather3A_238 : vector<16xf32>
        %add3A_240 = arith.addf %add3A_224, %mul3A_239 : vector<16xf32>
        %add3A_241 = arith.constant 2 : i32
        %add3A_242 = vector.broadcast %add3A_241 : i32 to vector<16xi32>
        %add3A_243 = arith.addi %iota3A, %add3A_242 : vector<16xi32>
        %ge3A_244 = arith.constant 32 : i32
        %ge3A_245 = vector.broadcast %ge3A_244 : i32 to vector<16xi32>
        %ge3A_246 = arith.cmpi sge, %add3A_243, %ge3A_245 : vector<16xi32>
        %sub3A_247 = arith.constant 32 : i32
        %sub3A_248 = vector.broadcast %sub3A_247 : i32 to vector<16xi32>
        %sub3A_249 = arith.subi %add3A_243, %sub3A_248 : vector<16xi32>
        %select_n3A_250 = arith.select %ge3A_246, %sub3A_249, %add3A_243 : vector<16xi1>, vector<16xi32>
        %add3A_251 = arith.addi %shift_left3A_200, %select_n3A_250 : vector<16xi32>
        %gather3A_252 = tpu.vector_load_idx %arg11[%add3A_113, %add3A_251] : memref<256x128xf32, #tpu.memory_space<vmem>>[vector<16xi32>, vector<16xi32>], vector<16xf32>,
        %add3A_253 = arith.addi %shift_left3A_209, %select_n3A_250 : vector<16xi32>
        %gather3A_254 = tpu.vector_load_idx %arg12[%add3A_113, %add3A_253] : memref<256x128xf32, #tpu.memory_space<vmem>>[vector<16xi32>, vector<16xi32>], vector<16xf32>,
        %mul3A_255 = arith.mulf %gather3A_252, %gather3A_254 : vector<16xf32>
        %add3A_256 = arith.addf %add3A_240, %mul3A_255 : vector<16xf32>
        %add3A_257 = arith.constant 3 : i32
        %add3A_258 = vector.broadcast %add3A_257 : i32 to vector<16xi32>
        %add3A_259 = arith.addi %iota3A, %add3A_258 : vector<16xi32>
        %ge3A_260 = arith.constant 32 : i32
        %ge3A_261 = vector.broadcast %ge3A_260 : i32 to vector<16xi32>
        %ge3A_262 = arith.cmpi sge, %add3A_259, %ge3A_261 : vector<16xi32>
        %sub3A_263 = arith.constant 32 : i32
        %sub3A_264 = vector.broadcast %sub3A_263 : i32 to vector<16xi32>
        %sub3A_265 = arith.subi %add3A_259, %sub3A_264 : vector<16xi32>
        %select_n3A_266 = arith.select %ge3A_262, %sub3A_265, %add3A_259 : vector<16xi1>, vector<16xi32>
        %add3A_267 = arith.addi %shift_left3A_200, %select_n3A_266 : vector<16xi32>
        %gather3A_268 = tpu.vector_load_idx %arg11[%add3A_113, %add3A_267] : memref<256x128xf32, #tpu.memory_space<vmem>>[vector<16xi32>, vector<16xi32>], vector<16xf32>,
        %add3A_269 = arith.addi %shift_left3A_209, %select_n3A_266 : vector<16xi32>
        %gather3A_270 = tpu.vector_load_idx %arg12[%add3A_113, %add3A_269] : memref<256x128xf32, #tpu.memory_space<vmem>>[vector<16xi32>, vector<16xi32>], vector<16xf32>,
        %mul3A_271 = arith.mulf %gather3A_268, %gather3A_270 : vector<16xf32>
        %add3A_272 = arith.addf %add3A_256, %mul3A_271 : vector<16xf32>
        %add3A_273 = arith.constant 4 : i32
        %add3A_274 = vector.broadcast %add3A_273 : i32 to vector<16xi32>
        %add3A_275 = arith.addi %iota3A, %add3A_274 : vector<16xi32>
        %ge3A_276 = arith.constant 32 : i32
        %ge3A_277 = vector.broadcast %ge3A_276 : i32 to vector<16xi32>
        %ge3A_278 = arith.cmpi sge, %add3A_275, %ge3A_277 : vector<16xi32>
        %sub3A_279 = arith.constant 32 : i32
        %sub3A_280 = vector.broadcast %sub3A_279 : i32 to vector<16xi32>
        %sub3A_281 = arith.subi %add3A_275, %sub3A_280 : vector<16xi32>
        %select_n3A_282 = arith.select %ge3A_278, %sub3A_281, %add3A_275 : vector<16xi1>, vector<16xi32>
        %add3A_283 = arith.addi %shift_left3A_200, %select_n3A_282 : vector<16xi32>
        %gather3A_284 = tpu.vector_load_idx %arg11[%add3A_113, %add3A_283] : memref<256x128xf32, #tpu.memory_space<vmem>>[vector<16xi32>, vector<16xi32>], vector<16xf32>,
        %add3A_285 = arith.addi %shift_left3A_209, %select_n3A_282 : vector<16xi32>
        %gather3A_286 = tpu.vector_load_idx %arg12[%add3A_113, %add3A_285] : memref<256x128xf32, #tpu.memory_space<vmem>>[vector<16xi32>, vector<16xi32>], vector<16xf32>,
        %mul3A_287 = arith.mulf %gather3A_284, %gather3A_286 : vector<16xf32>
        %add3A_288 = arith.addf %add3A_272, %mul3A_287 : vector<16xf32>
        %add3A_289 = arith.constant 5 : i32
        %add3A_290 = vector.broadcast %add3A_289 : i32 to vector<16xi32>
        %add3A_291 = arith.addi %iota3A, %add3A_290 : vector<16xi32>
        %ge3A_292 = arith.constant 32 : i32
        %ge3A_293 = vector.broadcast %ge3A_292 : i32 to vector<16xi32>
        %ge3A_294 = arith.cmpi sge, %add3A_291, %ge3A_293 : vector<16xi32>
        %sub3A_295 = arith.constant 32 : i32
        %sub3A_296 = vector.broadcast %sub3A_295 : i32 to vector<16xi32>
        %sub3A_297 = arith.subi %add3A_291, %sub3A_296 : vector<16xi32>
        %select_n3A_298 = arith.select %ge3A_294, %sub3A_297, %add3A_291 : vector<16xi1>, vector<16xi32>
        %add3A_299 = arith.addi %shift_left3A_200, %select_n3A_298 : vector<16xi32>
        %gather3A_300 = tpu.vector_load_idx %arg11[%add3A_113, %add3A_299] : memref<256x128xf32, #tpu.memory_space<vmem>>[vector<16xi32>, vector<16xi32>], vector<16xf32>,
        %add3A_301 = arith.addi %shift_left3A_209, %select_n3A_298 : vector<16xi32>
        %gather3A_302 = tpu.vector_load_idx %arg12[%add3A_113, %add3A_301] : memref<256x128xf32, #tpu.memory_space<vmem>>[vector<16xi32>, vector<16xi32>], vector<16xf32>,
        %mul3A_303 = arith.mulf %gather3A_300, %gather3A_302 : vector<16xf32>
        %add3A_304 = arith.addf %add3A_288, %mul3A_303 : vector<16xf32>
        %add3A_305 = arith.constant 6 : i32
        %add3A_306 = vector.broadcast %add3A_305 : i32 to vector<16xi32>
        %add3A_307 = arith.addi %iota3A, %add3A_306 : vector<16xi32>
        %ge3A_308 = arith.constant 32 : i32
        %ge3A_309 = vector.broadcast %ge3A_308 : i32 to vector<16xi32>
        %ge3A_310 = arith.cmpi sge, %add3A_307, %ge3A_309 : vector<16xi32>
        %sub3A_311 = arith.constant 32 : i32
        %sub3A_312 = vector.broadcast %sub3A_311 : i32 to vector<16xi32>
        %sub3A_313 = arith.subi %add3A_307, %sub3A_312 : vector<16xi32>
        %select_n3A_314 = arith.select %ge3A_310, %sub3A_313, %add3A_307 : vector<16xi1>, vector<16xi32>
        %add3A_315 = arith.addi %shift_left3A_200, %select_n3A_314 : vector<16xi32>
        %gather3A_316 = tpu.vector_load_idx %arg11[%add3A_113, %add3A_315] : memref<256x128xf32, #tpu.memory_space<vmem>>[vector<16xi32>, vector<16xi32>], vector<16xf32>,
        %add3A_317 = arith.addi %shift_left3A_209, %select_n3A_314 : vector<16xi32>
        %gather3A_318 = tpu.vector_load_idx %arg12[%add3A_113, %add3A_317] : memref<256x128xf32, #tpu.memory_space<vmem>>[vector<16xi32>, vector<16xi32>], vector<16xf32>,
        %mul3A_319 = arith.mulf %gather3A_316, %gather3A_318 : vector<16xf32>
        %add3A_320 = arith.addf %add3A_304, %mul3A_319 : vector<16xf32>
        %add3A_321 = arith.constant 7 : i32
        %add3A_322 = vector.broadcast %add3A_321 : i32 to vector<16xi32>
        %add3A_323 = arith.addi %iota3A, %add3A_322 : vector<16xi32>
        %ge3A_324 = arith.constant 32 : i32
        %ge3A_325 = vector.broadcast %ge3A_324 : i32 to vector<16xi32>
        %ge3A_326 = arith.cmpi sge, %add3A_323, %ge3A_325 : vector<16xi32>
        %sub3A_327 = arith.constant 32 : i32
        %sub3A_328 = vector.broadcast %sub3A_327 : i32 to vector<16xi32>
        %sub3A_329 = arith.subi %add3A_323, %sub3A_328 : vector<16xi32>
        %select_n3A_330 = arith.select %ge3A_326, %sub3A_329, %add3A_323 : vector<16xi1>, vector<16xi32>
        %add3A_331 = arith.addi %shift_left3A_200, %select_n3A_330 : vector<16xi32>
        %gather3A_332 = tpu.vector_load_idx %arg11[%add3A_113, %add3A_331] : memref<256x128xf32, #tpu.memory_space<vmem>>[vector<16xi32>, vector<16xi32>], vector<16xf32>,
        %add3A_333 = arith.addi %shift_left3A_209, %select_n3A_330 : vector<16xi32>
        %gather3A_334 = tpu.vector_load_idx %arg12[%add3A_113, %add3A_333] : memref<256x128xf32, #tpu.memory_space<vmem>>[vector<16xi32>, vector<16xi32>], vector<16xf32>,
        %mul3A_335 = arith.mulf %gather3A_332, %gather3A_334 : vector<16xf32>
        %add3A_336 = arith.addf %add3A_320, %mul3A_335 : vector<16xf32>
        %add3A_337 = arith.constant 8 : i32
        %add3A_338 = vector.broadcast %add3A_337 : i32 to vector<16xi32>
        %add3A_339 = arith.addi %iota3A, %add3A_338 : vector<16xi32>
        %ge3A_340 = arith.constant 32 : i32
        %ge3A_341 = vector.broadcast %ge3A_340 : i32 to vector<16xi32>
        %ge3A_342 = arith.cmpi sge, %add3A_339, %ge3A_341 : vector<16xi32>
        %sub3A_343 = arith.constant 32 : i32
        %sub3A_344 = vector.broadcast %sub3A_343 : i32 to vector<16xi32>
        %sub3A_345 = arith.subi %add3A_339, %sub3A_344 : vector<16xi32>
        %select_n3A_346 = arith.select %ge3A_342, %sub3A_345, %add3A_339 : vector<16xi1>, vector<16xi32>
        %add3A_347 = arith.addi %shift_left3A_200, %select_n3A_346 : vector<16xi32>
        %gather3A_348 = tpu.vector_load_idx %arg11[%add3A_113, %add3A_347] : memref<256x128xf32, #tpu.memory_space<vmem>>[vector<16xi32>, vector<16xi32>], vector<16xf32>,
        %add3A_349 = arith.addi %shift_left3A_209, %select_n3A_346 : vector<16xi32>
        %gather3A_350 = tpu.vector_load_idx %arg12[%add3A_113, %add3A_349] : memref<256x128xf32, #tpu.memory_space<vmem>>[vector<16xi32>, vector<16xi32>], vector<16xf32>,
        %mul3A_351 = arith.mulf %gather3A_348, %gather3A_350 : vector<16xf32>
        %add3A_352 = arith.addf %add3A_336, %mul3A_351 : vector<16xf32>
        %add3A_353 = arith.constant 9 : i32
        %add3A_354 = vector.broadcast %add3A_353 : i32 to vector<16xi32>
        %add3A_355 = arith.addi %iota3A, %add3A_354 : vector<16xi32>
        %ge3A_356 = arith.constant 32 : i32
        %ge3A_357 = vector.broadcast %ge3A_356 : i32 to vector<16xi32>
        %ge3A_358 = arith.cmpi sge, %add3A_355, %ge3A_357 : vector<16xi32>
        %sub3A_359 = arith.constant 32 : i32
        %sub3A_360 = vector.broadcast %sub3A_359 : i32 to vector<16xi32>
        %sub3A_361 = arith.subi %add3A_355, %sub3A_360 : vector<16xi32>
        %select_n3A_362 = arith.select %ge3A_358, %sub3A_361, %add3A_355 : vector<16xi1>, vector<16xi32>
        %add3A_363 = arith.addi %shift_left3A_200, %select_n3A_362 : vector<16xi32>
        %gather3A_364 = tpu.vector_load_idx %arg11[%add3A_113, %add3A_363] : memref<256x128xf32, #tpu.memory_space<vmem>>[vector<16xi32>, vector<16xi32>], vector<16xf32>,
        %add3A_365 = arith.addi %shift_left3A_209, %select_n3A_362 : vector<16xi32>
        %gather3A_366 = tpu.vector_load_idx %arg12[%add3A_113, %add3A_365] : memref<256x128xf32, #tpu.memory_space<vmem>>[vector<16xi32>, vector<16xi32>], vector<16xf32>,
        %mul3A_367 = arith.mulf %gather3A_364, %gather3A_366 : vector<16xf32>
        %add3A_368 = arith.addf %add3A_352, %mul3A_367 : vector<16xf32>
        %add3A_369 = arith.constant 10 : i32
        %add3A_370 = vector.broadcast %add3A_369 : i32 to vector<16xi32>
        %add3A_371 = arith.addi %iota3A, %add3A_370 : vector<16xi32>
        %ge3A_372 = arith.constant 32 : i32
        %ge3A_373 = vector.broadcast %ge3A_372 : i32 to vector<16xi32>
        %ge3A_374 = arith.cmpi sge, %add3A_371, %ge3A_373 : vector<16xi32>
        %sub3A_375 = arith.constant 32 : i32
        %sub3A_376 = vector.broadcast %sub3A_375 : i32 to vector<16xi32>
        %sub3A_377 = arith.subi %add3A_371, %sub3A_376 : vector<16xi32>
        %select_n3A_378 = arith.select %ge3A_374, %sub3A_377, %add3A_371 : vector<16xi1>, vector<16xi32>
        %add3A_379 = arith.addi %shift_left3A_200, %select_n3A_378 : vector<16xi32>
        %gather3A_380 = tpu.vector_load_idx %arg11[%add3A_113, %add3A_379] : memref<256x128xf32, #tpu.memory_space<vmem>>[vector<16xi32>, vector<16xi32>], vector<16xf32>,
        %add3A_381 = arith.addi %shift_left3A_209, %select_n3A_378 : vector<16xi32>
        %gather3A_382 = tpu.vector_load_idx %arg12[%add3A_113, %add3A_381] : memref<256x128xf32, #tpu.memory_space<vmem>>[vector<16xi32>, vector<16xi32>], vector<16xf32>,
        %mul3A_383 = arith.mulf %gather3A_380, %gather3A_382 : vector<16xf32>
        %add3A_384 = arith.addf %add3A_368, %mul3A_383 : vector<16xf32>
        %add3A_385 = arith.constant 11 : i32
        %add3A_386 = vector.broadcast %add3A_385 : i32 to vector<16xi32>
        %add3A_387 = arith.addi %iota3A, %add3A_386 : vector<16xi32>
        %ge3A_388 = arith.constant 32 : i32
        %ge3A_389 = vector.broadcast %ge3A_388 : i32 to vector<16xi32>
        %ge3A_390 = arith.cmpi sge, %add3A_387, %ge3A_389 : vector<16xi32>
        %sub3A_391 = arith.constant 32 : i32
        %sub3A_392 = vector.broadcast %sub3A_391 : i32 to vector<16xi32>
        %sub3A_393 = arith.subi %add3A_387, %sub3A_392 : vector<16xi32>
        %select_n3A_394 = arith.select %ge3A_390, %sub3A_393, %add3A_387 : vector<16xi1>, vector<16xi32>
        %add3A_395 = arith.addi %shift_left3A_200, %select_n3A_394 : vector<16xi32>
        %gather3A_396 = tpu.vector_load_idx %arg11[%add3A_113, %add3A_395] : memref<256x128xf32, #tpu.memory_space<vmem>>[vector<16xi32>, vector<16xi32>], vector<16xf32>,
        %add3A_397 = arith.addi %shift_left3A_209, %select_n3A_394 : vector<16xi32>
        %gather3A_398 = tpu.vector_load_idx %arg12[%add3A_113, %add3A_397] : memref<256x128xf32, #tpu.memory_space<vmem>>[vector<16xi32>, vector<16xi32>], vector<16xf32>,
        %mul3A_399 = arith.mulf %gather3A_396, %gather3A_398 : vector<16xf32>
        %add3A_400 = arith.addf %add3A_384, %mul3A_399 : vector<16xf32>
        %add3A_401 = arith.constant 12 : i32
        %add3A_402 = vector.broadcast %add3A_401 : i32 to vector<16xi32>
        %add3A_403 = arith.addi %iota3A, %add3A_402 : vector<16xi32>
        %ge3A_404 = arith.constant 32 : i32
        %ge3A_405 = vector.broadcast %ge3A_404 : i32 to vector<16xi32>
        %ge3A_406 = arith.cmpi sge, %add3A_403, %ge3A_405 : vector<16xi32>
        %sub3A_407 = arith.constant 32 : i32
        %sub3A_408 = vector.broadcast %sub3A_407 : i32 to vector<16xi32>
        %sub3A_409 = arith.subi %add3A_403, %sub3A_408 : vector<16xi32>
        %select_n3A_410 = arith.select %ge3A_406, %sub3A_409, %add3A_403 : vector<16xi1>, vector<16xi32>
        %add3A_411 = arith.addi %shift_left3A_200, %select_n3A_410 : vector<16xi32>
        %gather3A_412 = tpu.vector_load_idx %arg11[%add3A_113, %add3A_411] : memref<256x128xf32, #tpu.memory_space<vmem>>[vector<16xi32>, vector<16xi32>], vector<16xf32>,
        %add3A_413 = arith.addi %shift_left3A_209, %select_n3A_410 : vector<16xi32>
        %gather3A_414 = tpu.vector_load_idx %arg12[%add3A_113, %add3A_413] : memref<256x128xf32, #tpu.memory_space<vmem>>[vector<16xi32>, vector<16xi32>], vector<16xf32>,
        %mul3A_415 = arith.mulf %gather3A_412, %gather3A_414 : vector<16xf32>
        %add3A_416 = arith.addf %add3A_400, %mul3A_415 : vector<16xf32>
        %add3A_417 = arith.constant 13 : i32
        %add3A_418 = vector.broadcast %add3A_417 : i32 to vector<16xi32>
        %add3A_419 = arith.addi %iota3A, %add3A_418 : vector<16xi32>
        %ge3A_420 = arith.constant 32 : i32
        %ge3A_421 = vector.broadcast %ge3A_420 : i32 to vector<16xi32>
        %ge3A_422 = arith.cmpi sge, %add3A_419, %ge3A_421 : vector<16xi32>
        %sub3A_423 = arith.constant 32 : i32
        %sub3A_424 = vector.broadcast %sub3A_423 : i32 to vector<16xi32>
        %sub3A_425 = arith.subi %add3A_419, %sub3A_424 : vector<16xi32>
        %select_n3A_426 = arith.select %ge3A_422, %sub3A_425, %add3A_419 : vector<16xi1>, vector<16xi32>
        %add3A_427 = arith.addi %shift_left3A_200, %select_n3A_426 : vector<16xi32>
        %gather3A_428 = tpu.vector_load_idx %arg11[%add3A_113, %add3A_427] : memref<256x128xf32, #tpu.memory_space<vmem>>[vector<16xi32>, vector<16xi32>], vector<16xf32>,
        %add3A_429 = arith.addi %shift_left3A_209, %select_n3A_426 : vector<16xi32>
        %gather3A_430 = tpu.vector_load_idx %arg12[%add3A_113, %add3A_429] : memref<256x128xf32, #tpu.memory_space<vmem>>[vector<16xi32>, vector<16xi32>], vector<16xf32>,
        %mul3A_431 = arith.mulf %gather3A_428, %gather3A_430 : vector<16xf32>
        %add3A_432 = arith.addf %add3A_416, %mul3A_431 : vector<16xf32>
        %add3A_433 = arith.constant 14 : i32
        %add3A_434 = vector.broadcast %add3A_433 : i32 to vector<16xi32>
        %add3A_435 = arith.addi %iota3A, %add3A_434 : vector<16xi32>
        %ge3A_436 = arith.constant 32 : i32
        %ge3A_437 = vector.broadcast %ge3A_436 : i32 to vector<16xi32>
        %ge3A_438 = arith.cmpi sge, %add3A_435, %ge3A_437 : vector<16xi32>
        %sub3A_439 = arith.constant 32 : i32
        %sub3A_440 = vector.broadcast %sub3A_439 : i32 to vector<16xi32>
        %sub3A_441 = arith.subi %add3A_435, %sub3A_440 : vector<16xi32>
        %select_n3A_442 = arith.select %ge3A_438, %sub3A_441, %add3A_435 : vector<16xi1>, vector<16xi32>
        %add3A_443 = arith.addi %shift_left3A_200, %select_n3A_442 : vector<16xi32>
        %gather3A_444 = tpu.vector_load_idx %arg11[%add3A_113, %add3A_443] : memref<256x128xf32, #tpu.memory_space<vmem>>[vector<16xi32>, vector<16xi32>], vector<16xf32>,
        %add3A_445 = arith.addi %shift_left3A_209, %select_n3A_442 : vector<16xi32>
        %gather3A_446 = tpu.vector_load_idx %arg12[%add3A_113, %add3A_445] : memref<256x128xf32, #tpu.memory_space<vmem>>[vector<16xi32>, vector<16xi32>], vector<16xf32>,
        %mul3A_447 = arith.mulf %gather3A_444, %gather3A_446 : vector<16xf32>
        %add3A_448 = arith.addf %add3A_432, %mul3A_447 : vector<16xf32>
        %add3A_449 = arith.constant 15 : i32
        %add3A_450 = vector.broadcast %add3A_449 : i32 to vector<16xi32>
        %add3A_451 = arith.addi %iota3A, %add3A_450 : vector<16xi32>
        %ge3A_452 = arith.constant 32 : i32
        %ge3A_453 = vector.broadcast %ge3A_452 : i32 to vector<16xi32>
        %ge3A_454 = arith.cmpi sge, %add3A_451, %ge3A_453 : vector<16xi32>
        %sub3A_455 = arith.constant 32 : i32
        %sub3A_456 = vector.broadcast %sub3A_455 : i32 to vector<16xi32>
        %sub3A_457 = arith.subi %add3A_451, %sub3A_456 : vector<16xi32>
        %select_n3A_458 = arith.select %ge3A_454, %sub3A_457, %add3A_451 : vector<16xi1>, vector<16xi32>
        %add3A_459 = arith.addi %shift_left3A_200, %select_n3A_458 : vector<16xi32>
        %gather3A_460 = tpu.vector_load_idx %arg11[%add3A_113, %add3A_459] : memref<256x128xf32, #tpu.memory_space<vmem>>[vector<16xi32>, vector<16xi32>], vector<16xf32>,
        %add3A_461 = arith.addi %shift_left3A_209, %select_n3A_458 : vector<16xi32>
        %gather3A_462 = tpu.vector_load_idx %arg12[%add3A_113, %add3A_461] : memref<256x128xf32, #tpu.memory_space<vmem>>[vector<16xi32>, vector<16xi32>], vector<16xf32>,
        %mul3A_463 = arith.mulf %gather3A_460, %gather3A_462 : vector<16xf32>
        %add3A_464 = arith.addf %add3A_448, %mul3A_463 : vector<16xf32>
        %add3A_465 = arith.constant 16 : i32
        %add3A_466 = vector.broadcast %add3A_465 : i32 to vector<16xi32>
        %add3A_467 = arith.addi %iota3A, %add3A_466 : vector<16xi32>
        %ge3A_468 = arith.constant 32 : i32
        %ge3A_469 = vector.broadcast %ge3A_468 : i32 to vector<16xi32>
        %ge3A_470 = arith.cmpi sge, %add3A_467, %ge3A_469 : vector<16xi32>
        %sub3A_471 = arith.constant 32 : i32
        %sub3A_472 = vector.broadcast %sub3A_471 : i32 to vector<16xi32>
        %sub3A_473 = arith.subi %add3A_467, %sub3A_472 : vector<16xi32>
        %select_n3A_474 = arith.select %ge3A_470, %sub3A_473, %add3A_467 : vector<16xi1>, vector<16xi32>
        %add3A_475 = arith.addi %shift_left3A_200, %select_n3A_474 : vector<16xi32>
        %gather3A_476 = tpu.vector_load_idx %arg11[%add3A_113, %add3A_475] : memref<256x128xf32, #tpu.memory_space<vmem>>[vector<16xi32>, vector<16xi32>], vector<16xf32>,
        %add3A_477 = arith.addi %shift_left3A_209, %select_n3A_474 : vector<16xi32>
        %gather3A_478 = tpu.vector_load_idx %arg12[%add3A_113, %add3A_477] : memref<256x128xf32, #tpu.memory_space<vmem>>[vector<16xi32>, vector<16xi32>], vector<16xf32>,
        %mul3A_479 = arith.mulf %gather3A_476, %gather3A_478 : vector<16xf32>
        %add3A_480 = arith.addf %add3A_464, %mul3A_479 : vector<16xf32>
        %add3A_481 = arith.constant 17 : i32
        %add3A_482 = vector.broadcast %add3A_481 : i32 to vector<16xi32>
        %add3A_483 = arith.addi %iota3A, %add3A_482 : vector<16xi32>
        %ge3A_484 = arith.constant 32 : i32
        %ge3A_485 = vector.broadcast %ge3A_484 : i32 to vector<16xi32>
        %ge3A_486 = arith.cmpi sge, %add3A_483, %ge3A_485 : vector<16xi32>
        %sub3A_487 = arith.constant 32 : i32
        %sub3A_488 = vector.broadcast %sub3A_487 : i32 to vector<16xi32>
        %sub3A_489 = arith.subi %add3A_483, %sub3A_488 : vector<16xi32>
        %select_n3A_490 = arith.select %ge3A_486, %sub3A_489, %add3A_483 : vector<16xi1>, vector<16xi32>
        %add3A_491 = arith.addi %shift_left3A_200, %select_n3A_490 : vector<16xi32>
        %gather3A_492 = tpu.vector_load_idx %arg11[%add3A_113, %add3A_491] : memref<256x128xf32, #tpu.memory_space<vmem>>[vector<16xi32>, vector<16xi32>], vector<16xf32>,
        %add3A_493 = arith.addi %shift_left3A_209, %select_n3A_490 : vector<16xi32>
        %gather3A_494 = tpu.vector_load_idx %arg12[%add3A_113, %add3A_493] : memref<256x128xf32, #tpu.memory_space<vmem>>[vector<16xi32>, vector<16xi32>], vector<16xf32>,
        %mul3A_495 = arith.mulf %gather3A_492, %gather3A_494 : vector<16xf32>
        %add3A_496 = arith.addf %add3A_480, %mul3A_495 : vector<16xf32>
        %add3A_497 = arith.constant 18 : i32
        %add3A_498 = vector.broadcast %add3A_497 : i32 to vector<16xi32>
        %add3A_499 = arith.addi %iota3A, %add3A_498 : vector<16xi32>
        %ge3A_500 = arith.constant 32 : i32
        %ge3A_501 = vector.broadcast %ge3A_500 : i32 to vector<16xi32>
        %ge3A_502 = arith.cmpi sge, %add3A_499, %ge3A_501 : vector<16xi32>
        %sub3A_503 = arith.constant 32 : i32
        %sub3A_504 = vector.broadcast %sub3A_503 : i32 to vector<16xi32>
        %sub3A_505 = arith.subi %add3A_499, %sub3A_504 : vector<16xi32>
        %select_n3A_506 = arith.select %ge3A_502, %sub3A_505, %add3A_499 : vector<16xi1>, vector<16xi32>
        %add3A_507 = arith.addi %shift_left3A_200, %select_n3A_506 : vector<16xi32>
        %gather3A_508 = tpu.vector_load_idx %arg11[%add3A_113, %add3A_507] : memref<256x128xf32, #tpu.memory_space<vmem>>[vector<16xi32>, vector<16xi32>], vector<16xf32>,
        %add3A_509 = arith.addi %shift_left3A_209, %select_n3A_506 : vector<16xi32>
        %gather3A_510 = tpu.vector_load_idx %arg12[%add3A_113, %add3A_509] : memref<256x128xf32, #tpu.memory_space<vmem>>[vector<16xi32>, vector<16xi32>], vector<16xf32>,
        %mul3A_511 = arith.mulf %gather3A_508, %gather3A_510 : vector<16xf32>
        %add3A_512 = arith.addf %add3A_496, %mul3A_511 : vector<16xf32>
        %add3A_513 = arith.constant 19 : i32
        %add3A_514 = vector.broadcast %add3A_513 : i32 to vector<16xi32>
        %add3A_515 = arith.addi %iota3A, %add3A_514 : vector<16xi32>
        %ge3A_516 = arith.constant 32 : i32
        %ge3A_517 = vector.broadcast %ge3A_516 : i32 to vector<16xi32>
        %ge3A_518 = arith.cmpi sge, %add3A_515, %ge3A_517 : vector<16xi32>
        %sub3A_519 = arith.constant 32 : i32
        %sub3A_520 = vector.broadcast %sub3A_519 : i32 to vector<16xi32>
        %sub3A_521 = arith.subi %add3A_515, %sub3A_520 : vector<16xi32>
        %select_n3A_522 = arith.select %ge3A_518, %sub3A_521, %add3A_515 : vector<16xi1>, vector<16xi32>
        %add3A_523 = arith.addi %shift_left3A_200, %select_n3A_522 : vector<16xi32>
        %gather3A_524 = tpu.vector_load_idx %arg11[%add3A_113, %add3A_523] : memref<256x128xf32, #tpu.memory_space<vmem>>[vector<16xi32>, vector<16xi32>], vector<16xf32>,
        %add3A_525 = arith.addi %shift_left3A_209, %select_n3A_522 : vector<16xi32>
        %gather3A_526 = tpu.vector_load_idx %arg12[%add3A_113, %add3A_525] : memref<256x128xf32, #tpu.memory_space<vmem>>[vector<16xi32>, vector<16xi32>], vector<16xf32>,
        %mul3A_527 = arith.mulf %gather3A_524, %gather3A_526 : vector<16xf32>
        %add3A_528 = arith.addf %add3A_512, %mul3A_527 : vector<16xf32>
        %add3A_529 = arith.constant 20 : i32
        %add3A_530 = vector.broadcast %add3A_529 : i32 to vector<16xi32>
        %add3A_531 = arith.addi %iota3A, %add3A_530 : vector<16xi32>
        %ge3A_532 = arith.constant 32 : i32
        %ge3A_533 = vector.broadcast %ge3A_532 : i32 to vector<16xi32>
        %ge3A_534 = arith.cmpi sge, %add3A_531, %ge3A_533 : vector<16xi32>
        %sub3A_535 = arith.constant 32 : i32
        %sub3A_536 = vector.broadcast %sub3A_535 : i32 to vector<16xi32>
        %sub3A_537 = arith.subi %add3A_531, %sub3A_536 : vector<16xi32>
        %select_n3A_538 = arith.select %ge3A_534, %sub3A_537, %add3A_531 : vector<16xi1>, vector<16xi32>
        %add3A_539 = arith.addi %shift_left3A_200, %select_n3A_538 : vector<16xi32>
        %gather3A_540 = tpu.vector_load_idx %arg11[%add3A_113, %add3A_539] : memref<256x128xf32, #tpu.memory_space<vmem>>[vector<16xi32>, vector<16xi32>], vector<16xf32>,
        %add3A_541 = arith.addi %shift_left3A_209, %select_n3A_538 : vector<16xi32>
        %gather3A_542 = tpu.vector_load_idx %arg12[%add3A_113, %add3A_541] : memref<256x128xf32, #tpu.memory_space<vmem>>[vector<16xi32>, vector<16xi32>], vector<16xf32>,
        %mul3A_543 = arith.mulf %gather3A_540, %gather3A_542 : vector<16xf32>
        %add3A_544 = arith.addf %add3A_528, %mul3A_543 : vector<16xf32>
        %add3A_545 = arith.constant 21 : i32
        %add3A_546 = vector.broadcast %add3A_545 : i32 to vector<16xi32>
        %add3A_547 = arith.addi %iota3A, %add3A_546 : vector<16xi32>
        %ge3A_548 = arith.constant 32 : i32
        %ge3A_549 = vector.broadcast %ge3A_548 : i32 to vector<16xi32>
        %ge3A_550 = arith.cmpi sge, %add3A_547, %ge3A_549 : vector<16xi32>
        %sub3A_551 = arith.constant 32 : i32
        %sub3A_552 = vector.broadcast %sub3A_551 : i32 to vector<16xi32>
        %sub3A_553 = arith.subi %add3A_547, %sub3A_552 : vector<16xi32>
        %select_n3A_554 = arith.select %ge3A_550, %sub3A_553, %add3A_547 : vector<16xi1>, vector<16xi32>
        %add3A_555 = arith.addi %shift_left3A_200, %select_n3A_554 : vector<16xi32>
        %gather3A_556 = tpu.vector_load_idx %arg11[%add3A_113, %add3A_555] : memref<256x128xf32, #tpu.memory_space<vmem>>[vector<16xi32>, vector<16xi32>], vector<16xf32>,
        %add3A_557 = arith.addi %shift_left3A_209, %select_n3A_554 : vector<16xi32>
        %gather3A_558 = tpu.vector_load_idx %arg12[%add3A_113, %add3A_557] : memref<256x128xf32, #tpu.memory_space<vmem>>[vector<16xi32>, vector<16xi32>], vector<16xf32>,
        %mul3A_559 = arith.mulf %gather3A_556, %gather3A_558 : vector<16xf32>
        %add3A_560 = arith.addf %add3A_544, %mul3A_559 : vector<16xf32>
        %add3A_561 = arith.constant 22 : i32
        %add3A_562 = vector.broadcast %add3A_561 : i32 to vector<16xi32>
        %add3A_563 = arith.addi %iota3A, %add3A_562 : vector<16xi32>
        %ge3A_564 = arith.constant 32 : i32
        %ge3A_565 = vector.broadcast %ge3A_564 : i32 to vector<16xi32>
        %ge3A_566 = arith.cmpi sge, %add3A_563, %ge3A_565 : vector<16xi32>
        %sub3A_567 = arith.constant 32 : i32
        %sub3A_568 = vector.broadcast %sub3A_567 : i32 to vector<16xi32>
        %sub3A_569 = arith.subi %add3A_563, %sub3A_568 : vector<16xi32>
        %select_n3A_570 = arith.select %ge3A_566, %sub3A_569, %add3A_563 : vector<16xi1>, vector<16xi32>
        %add3A_571 = arith.addi %shift_left3A_200, %select_n3A_570 : vector<16xi32>
        %gather3A_572 = tpu.vector_load_idx %arg11[%add3A_113, %add3A_571] : memref<256x128xf32, #tpu.memory_space<vmem>>[vector<16xi32>, vector<16xi32>], vector<16xf32>,
        %add3A_573 = arith.addi %shift_left3A_209, %select_n3A_570 : vector<16xi32>
        %gather3A_574 = tpu.vector_load_idx %arg12[%add3A_113, %add3A_573] : memref<256x128xf32, #tpu.memory_space<vmem>>[vector<16xi32>, vector<16xi32>], vector<16xf32>,
        %mul3A_575 = arith.mulf %gather3A_572, %gather3A_574 : vector<16xf32>
        %add3A_576 = arith.addf %add3A_560, %mul3A_575 : vector<16xf32>
        %add3A_577 = arith.constant 23 : i32
        %add3A_578 = vector.broadcast %add3A_577 : i32 to vector<16xi32>
        %add3A_579 = arith.addi %iota3A, %add3A_578 : vector<16xi32>
        %ge3A_580 = arith.constant 32 : i32
        %ge3A_581 = vector.broadcast %ge3A_580 : i32 to vector<16xi32>
        %ge3A_582 = arith.cmpi sge, %add3A_579, %ge3A_581 : vector<16xi32>
        %sub3A_583 = arith.constant 32 : i32
        %sub3A_584 = vector.broadcast %sub3A_583 : i32 to vector<16xi32>
        %sub3A_585 = arith.subi %add3A_579, %sub3A_584 : vector<16xi32>
        %select_n3A_586 = arith.select %ge3A_582, %sub3A_585, %add3A_579 : vector<16xi1>, vector<16xi32>
        %add3A_587 = arith.addi %shift_left3A_200, %select_n3A_586 : vector<16xi32>
        %gather3A_588 = tpu.vector_load_idx %arg11[%add3A_113, %add3A_587] : memref<256x128xf32, #tpu.memory_space<vmem>>[vector<16xi32>, vector<16xi32>], vector<16xf32>,
        %add3A_589 = arith.addi %shift_left3A_209, %select_n3A_586 : vector<16xi32>
        %gather3A_590 = tpu.vector_load_idx %arg12[%add3A_113, %add3A_589] : memref<256x128xf32, #tpu.memory_space<vmem>>[vector<16xi32>, vector<16xi32>], vector<16xf32>,
        %mul3A_591 = arith.mulf %gather3A_588, %gather3A_590 : vector<16xf32>
        %add3A_592 = arith.addf %add3A_576, %mul3A_591 : vector<16xf32>
        %add3A_593 = arith.constant 24 : i32
        %add3A_594 = vector.broadcast %add3A_593 : i32 to vector<16xi32>
        %add3A_595 = arith.addi %iota3A, %add3A_594 : vector<16xi32>
        %ge3A_596 = arith.constant 32 : i32
        %ge3A_597 = vector.broadcast %ge3A_596 : i32 to vector<16xi32>
        %ge3A_598 = arith.cmpi sge, %add3A_595, %ge3A_597 : vector<16xi32>
        %sub3A_599 = arith.constant 32 : i32
        %sub3A_600 = vector.broadcast %sub3A_599 : i32 to vector<16xi32>
        %sub3A_601 = arith.subi %add3A_595, %sub3A_600 : vector<16xi32>
        %select_n3A_602 = arith.select %ge3A_598, %sub3A_601, %add3A_595 : vector<16xi1>, vector<16xi32>
        %add3A_603 = arith.addi %shift_left3A_200, %select_n3A_602 : vector<16xi32>
        %gather3A_604 = tpu.vector_load_idx %arg11[%add3A_113, %add3A_603] : memref<256x128xf32, #tpu.memory_space<vmem>>[vector<16xi32>, vector<16xi32>], vector<16xf32>,
        %add3A_605 = arith.addi %shift_left3A_209, %select_n3A_602 : vector<16xi32>
        %gather3A_606 = tpu.vector_load_idx %arg12[%add3A_113, %add3A_605] : memref<256x128xf32, #tpu.memory_space<vmem>>[vector<16xi32>, vector<16xi32>], vector<16xf32>,
        %mul3A_607 = arith.mulf %gather3A_604, %gather3A_606 : vector<16xf32>
        %add3A_608 = arith.addf %add3A_592, %mul3A_607 : vector<16xf32>
        %add3A_609 = arith.constant 25 : i32
        %add3A_610 = vector.broadcast %add3A_609 : i32 to vector<16xi32>
        %add3A_611 = arith.addi %iota3A, %add3A_610 : vector<16xi32>
        %ge3A_612 = arith.constant 32 : i32
        %ge3A_613 = vector.broadcast %ge3A_612 : i32 to vector<16xi32>
        %ge3A_614 = arith.cmpi sge, %add3A_611, %ge3A_613 : vector<16xi32>
        %sub3A_615 = arith.constant 32 : i32
        %sub3A_616 = vector.broadcast %sub3A_615 : i32 to vector<16xi32>
        %sub3A_617 = arith.subi %add3A_611, %sub3A_616 : vector<16xi32>
        %select_n3A_618 = arith.select %ge3A_614, %sub3A_617, %add3A_611 : vector<16xi1>, vector<16xi32>
        %add3A_619 = arith.addi %shift_left3A_200, %select_n3A_618 : vector<16xi32>
        %gather3A_620 = tpu.vector_load_idx %arg11[%add3A_113, %add3A_619] : memref<256x128xf32, #tpu.memory_space<vmem>>[vector<16xi32>, vector<16xi32>], vector<16xf32>,
        %add3A_621 = arith.addi %shift_left3A_209, %select_n3A_618 : vector<16xi32>
        %gather3A_622 = tpu.vector_load_idx %arg12[%add3A_113, %add3A_621] : memref<256x128xf32, #tpu.memory_space<vmem>>[vector<16xi32>, vector<16xi32>], vector<16xf32>,
        %mul3A_623 = arith.mulf %gather3A_620, %gather3A_622 : vector<16xf32>
        %add3A_624 = arith.addf %add3A_608, %mul3A_623 : vector<16xf32>
        %add3A_625 = arith.constant 26 : i32
        %add3A_626 = vector.broadcast %add3A_625 : i32 to vector<16xi32>
        %add3A_627 = arith.addi %iota3A, %add3A_626 : vector<16xi32>
        %ge3A_628 = arith.constant 32 : i32
        %ge3A_629 = vector.broadcast %ge3A_628 : i32 to vector<16xi32>
        %ge3A_630 = arith.cmpi sge, %add3A_627, %ge3A_629 : vector<16xi32>
        %sub3A_631 = arith.constant 32 : i32
        %sub3A_632 = vector.broadcast %sub3A_631 : i32 to vector<16xi32>
        %sub3A_633 = arith.subi %add3A_627, %sub3A_632 : vector<16xi32>
        %select_n3A_634 = arith.select %ge3A_630, %sub3A_633, %add3A_627 : vector<16xi1>, vector<16xi32>
        %add3A_635 = arith.addi %shift_left3A_200, %select_n3A_634 : vector<16xi32>
        %gather3A_636 = tpu.vector_load_idx %arg11[%add3A_113, %add3A_635] : memref<256x128xf32, #tpu.memory_space<vmem>>[vector<16xi32>, vector<16xi32>], vector<16xf32>,
        %add3A_637 = arith.addi %shift_left3A_209, %select_n3A_634 : vector<16xi32>
        %gather3A_638 = tpu.vector_load_idx %arg12[%add3A_113, %add3A_637] : memref<256x128xf32, #tpu.memory_space<vmem>>[vector<16xi32>, vector<16xi32>], vector<16xf32>,
        %mul3A_639 = arith.mulf %gather3A_636, %gather3A_638 : vector<16xf32>
        %add3A_640 = arith.addf %add3A_624, %mul3A_639 : vector<16xf32>
        %add3A_641 = arith.constant 27 : i32
        %add3A_642 = vector.broadcast %add3A_641 : i32 to vector<16xi32>
        %add3A_643 = arith.addi %iota3A, %add3A_642 : vector<16xi32>
        %ge3A_644 = arith.constant 32 : i32
        %ge3A_645 = vector.broadcast %ge3A_644 : i32 to vector<16xi32>
        %ge3A_646 = arith.cmpi sge, %add3A_643, %ge3A_645 : vector<16xi32>
        %sub3A_647 = arith.constant 32 : i32
        %sub3A_648 = vector.broadcast %sub3A_647 : i32 to vector<16xi32>
        %sub3A_649 = arith.subi %add3A_643, %sub3A_648 : vector<16xi32>
        %select_n3A_650 = arith.select %ge3A_646, %sub3A_649, %add3A_643 : vector<16xi1>, vector<16xi32>
        %add3A_651 = arith.addi %shift_left3A_200, %select_n3A_650 : vector<16xi32>
        %gather3A_652 = tpu.vector_load_idx %arg11[%add3A_113, %add3A_651] : memref<256x128xf32, #tpu.memory_space<vmem>>[vector<16xi32>, vector<16xi32>], vector<16xf32>,
        %add3A_653 = arith.addi %shift_left3A_209, %select_n3A_650 : vector<16xi32>
        %gather3A_654 = tpu.vector_load_idx %arg12[%add3A_113, %add3A_653] : memref<256x128xf32, #tpu.memory_space<vmem>>[vector<16xi32>, vector<16xi32>], vector<16xf32>,
        %mul3A_655 = arith.mulf %gather3A_652, %gather3A_654 : vector<16xf32>
        %add3A_656 = arith.addf %add3A_640, %mul3A_655 : vector<16xf32>
        %add3A_657 = arith.constant 28 : i32
        %add3A_658 = vector.broadcast %add3A_657 : i32 to vector<16xi32>
        %add3A_659 = arith.addi %iota3A, %add3A_658 : vector<16xi32>
        %ge3A_660 = arith.constant 32 : i32
        %ge3A_661 = vector.broadcast %ge3A_660 : i32 to vector<16xi32>
        %ge3A_662 = arith.cmpi sge, %add3A_659, %ge3A_661 : vector<16xi32>
        %sub3A_663 = arith.constant 32 : i32
        %sub3A_664 = vector.broadcast %sub3A_663 : i32 to vector<16xi32>
        %sub3A_665 = arith.subi %add3A_659, %sub3A_664 : vector<16xi32>
        %select_n3A_666 = arith.select %ge3A_662, %sub3A_665, %add3A_659 : vector<16xi1>, vector<16xi32>
        %add3A_667 = arith.addi %shift_left3A_200, %select_n3A_666 : vector<16xi32>
        %gather3A_668 = tpu.vector_load_idx %arg11[%add3A_113, %add3A_667] : memref<256x128xf32, #tpu.memory_space<vmem>>[vector<16xi32>, vector<16xi32>], vector<16xf32>,
        %add3A_669 = arith.addi %shift_left3A_209, %select_n3A_666 : vector<16xi32>
        %gather3A_670 = tpu.vector_load_idx %arg12[%add3A_113, %add3A_669] : memref<256x128xf32, #tpu.memory_space<vmem>>[vector<16xi32>, vector<16xi32>], vector<16xf32>,
        %mul3A_671 = arith.mulf %gather3A_668, %gather3A_670 : vector<16xf32>
        %add3A_672 = arith.addf %add3A_656, %mul3A_671 : vector<16xf32>
        %add3A_673 = arith.constant 29 : i32
        %add3A_674 = vector.broadcast %add3A_673 : i32 to vector<16xi32>
        %add3A_675 = arith.addi %iota3A, %add3A_674 : vector<16xi32>
        %ge3A_676 = arith.constant 32 : i32
        %ge3A_677 = vector.broadcast %ge3A_676 : i32 to vector<16xi32>
        %ge3A_678 = arith.cmpi sge, %add3A_675, %ge3A_677 : vector<16xi32>
        %sub3A_679 = arith.constant 32 : i32
        %sub3A_680 = vector.broadcast %sub3A_679 : i32 to vector<16xi32>
        %sub3A_681 = arith.subi %add3A_675, %sub3A_680 : vector<16xi32>
        %select_n3A_682 = arith.select %ge3A_678, %sub3A_681, %add3A_675 : vector<16xi1>, vector<16xi32>
        %add3A_683 = arith.addi %shift_left3A_200, %select_n3A_682 : vector<16xi32>
        %gather3A_684 = tpu.vector_load_idx %arg11[%add3A_113, %add3A_683] : memref<256x128xf32, #tpu.memory_space<vmem>>[vector<16xi32>, vector<16xi32>], vector<16xf32>,
        %add3A_685 = arith.addi %shift_left3A_209, %select_n3A_682 : vector<16xi32>
        %gather3A_686 = tpu.vector_load_idx %arg12[%add3A_113, %add3A_685] : memref<256x128xf32, #tpu.memory_space<vmem>>[vector<16xi32>, vector<16xi32>], vector<16xf32>,
        %mul3A_687 = arith.mulf %gather3A_684, %gather3A_686 : vector<16xf32>
        %add3A_688 = arith.addf %add3A_672, %mul3A_687 : vector<16xf32>
        %add3A_689 = arith.constant 30 : i32
        %add3A_690 = vector.broadcast %add3A_689 : i32 to vector<16xi32>
        %add3A_691 = arith.addi %iota3A, %add3A_690 : vector<16xi32>
        %ge3A_692 = arith.constant 32 : i32
        %ge3A_693 = vector.broadcast %ge3A_692 : i32 to vector<16xi32>
        %ge3A_694 = arith.cmpi sge, %add3A_691, %ge3A_693 : vector<16xi32>
        %sub3A_695 = arith.constant 32 : i32
        %sub3A_696 = vector.broadcast %sub3A_695 : i32 to vector<16xi32>
        %sub3A_697 = arith.subi %add3A_691, %sub3A_696 : vector<16xi32>
        %select_n3A_698 = arith.select %ge3A_694, %sub3A_697, %add3A_691 : vector<16xi1>, vector<16xi32>
        %add3A_699 = arith.addi %shift_left3A_200, %select_n3A_698 : vector<16xi32>
        %gather3A_700 = tpu.vector_load_idx %arg11[%add3A_113, %add3A_699] : memref<256x128xf32, #tpu.memory_space<vmem>>[vector<16xi32>, vector<16xi32>], vector<16xf32>,
        %add3A_701 = arith.addi %shift_left3A_209, %select_n3A_698 : vector<16xi32>
        %gather3A_702 = tpu.vector_load_idx %arg12[%add3A_113, %add3A_701] : memref<256x128xf32, #tpu.memory_space<vmem>>[vector<16xi32>, vector<16xi32>], vector<16xf32>,
        %mul3A_703 = arith.mulf %gather3A_700, %gather3A_702 : vector<16xf32>
        %add3A_704 = arith.addf %add3A_688, %mul3A_703 : vector<16xf32>
        %add3A_705 = arith.constant 31 : i32
        %add3A_706 = vector.broadcast %add3A_705 : i32 to vector<16xi32>
        %add3A_707 = arith.addi %iota3A, %add3A_706 : vector<16xi32>
        %ge3A_708 = arith.constant 32 : i32
        %ge3A_709 = vector.broadcast %ge3A_708 : i32 to vector<16xi32>
        %ge3A_710 = arith.cmpi sge, %add3A_707, %ge3A_709 : vector<16xi32>
        %sub3A_711 = arith.constant 32 : i32
        %sub3A_712 = vector.broadcast %sub3A_711 : i32 to vector<16xi32>
        %sub3A_713 = arith.subi %add3A_707, %sub3A_712 : vector<16xi32>
        %select_n3A_714 = arith.select %ge3A_710, %sub3A_713, %add3A_707 : vector<16xi1>, vector<16xi32>
        %add3A_715 = arith.addi %shift_left3A_200, %select_n3A_714 : vector<16xi32>
        %gather3A_716 = tpu.vector_load_idx %arg11[%add3A_113, %add3A_715] : memref<256x128xf32, #tpu.memory_space<vmem>>[vector<16xi32>, vector<16xi32>], vector<16xf32>,
        %add3A_717 = arith.addi %shift_left3A_209, %select_n3A_714 : vector<16xi32>
        %gather3A_718 = tpu.vector_load_idx %arg12[%add3A_113, %add3A_717] : memref<256x128xf32, #tpu.memory_space<vmem>>[vector<16xi32>, vector<16xi32>], vector<16xf32>,
        %mul3A_719 = arith.mulf %gather3A_716, %gather3A_718 : vector<16xf32>
        %add3A_720 = arith.addf %add3A_704, %mul3A_719 : vector<16xf32>
        %swap3A = arith.index_cast %add3A_118 : i32 to index
        %swap3A_721 = tpu.vector_load %arg13[%swap3A] {strides = array<i32>} : memref<512xf32, #tpu.memory_space<vmem>>, vector<16xf32>,
        tpu.vector_store %arg13[%swap3A], %add3A_720 {strides = array<i32>} : memref<512xf32, #tpu.memory_space<vmem>>, vector<16xf32>,
      }
      %scan3A_104 = arith.constant 16 : i32
    }
    %scan3A_16 = arith.constant 2 : i32
    "tpu.region"() ({
      %run_scoped3A = tpu.sem_alloc : memref<!tpu.dma_semaphore, #tpu.memory_space<semaphore_mem>>
      %dma_start3A = tpu.memref_slice %arg6[%mul3A_2] : memref<16384xf32, #tpu.memory_space<hbm>> -> memref<512xf32, #tpu.memory_space<hbm>>
      %dma_start3A_17 = tpu.memref_slice %arg6[%mul3A_2] : memref<16384xf32, #tpu.memory_space<hbm>> -> memref<512xf32, #tpu.memory_space<hbm>>
      tpu.enqueue_dma source(%arg13 : memref<512xf32, #tpu.memory_space<vmem>>) target(%dma_start3A_17 : memref<512xf32, #tpu.memory_space<hbm>>) target_semaphore(%run_scoped3A : memref<!tpu.dma_semaphore, #tpu.memory_space<semaphore_mem>>)
      %dma_wait3A = tpu.memref_slice %arg6[%mul3A_2] : memref<16384xf32, #tpu.memory_space<hbm>> -> memref<512xf32, #tpu.memory_space<hbm>>
      %dma_wait3A_18 = tpu.memref_slice %arg6[%mul3A_2] : memref<16384xf32, #tpu.memory_space<hbm>> -> memref<512xf32, #tpu.memory_space<hbm>>
      tpu.wait_dma2 semaphore(%run_scoped3A : memref<!tpu.dma_semaphore, #tpu.memory_space<semaphore_mem>>) src(%arg13 : memref<512xf32, #tpu.memory_space<vmem>>) dst(%dma_wait3A_18 : memref<512xf32, #tpu.memory_space<hbm>>)
      tpu.yield
    }) : () -> ()
    return
  }
}

module attributes {stable_mosaic.version = 14 : i64} {
  func.func @_relayout_body(%arg0: i32, %arg1: memref<32x32768xf32, #tpu.memory_space<vmem>>, %arg2: memref<32x32768xf32, #tpu.memory_space<vmem>>, %arg3: memref<8192x128xf32, #tpu.memory_space<vmem>>, %arg4: memref<8192x128xf32, #tpu.memory_space<vmem>>) attributes {dimension_semantics = [#tpu.dimension_semantics<parallel>], iteration_bounds = array<i64: 31>, scalar_prefetch = 0 : i64, scratch_operands = 0 : i64, tpu.core_type = #tpu.core_type<tc>, window_params = [{transform_indices = @transform_0, window_bounds = array<i64: 32, 32768>}, {transform_indices = @transform_1, window_bounds = array<i64: 32, 32768>}, {transform_indices = @transform_2, window_bounds = array<i64: 8192, 128>}, {transform_indices = @transform_3, window_bounds = array<i64: 8192, 128>}]} {
    %get3A = arith.constant 0 : index
    %get3A_0 = arith.constant 0 : index
    %get3A_1 = vector.load %arg1[%get3A, %get3A_0] : memref<32x32768xf32, #tpu.memory_space<vmem>>, vector<32x32768xf32>
    %reshape3A = vector.shape_cast %get3A_1 : vector<32x32768xf32> to vector<32x4x8192xf32>
    %transpose3A = tpu.transpose %reshape3A, [1, 0, 2] : vector<32x4x8192xf32> -> vector<4x32x8192xf32>
    %reshape3A_2 = vector.shape_cast %transpose3A : vector<4x32x8192xf32> to vector<128x8192xf32>
    %transpose3A_3 = tpu.transpose %reshape3A_2, [1, 0] : vector<128x8192xf32> -> vector<8192x128xf32>
    %swap3A = arith.constant 0 : index
    %swap3A_4 = arith.constant 0 : index
    %swap3A_5 = vector.load %arg3[%swap3A, %swap3A_4] : memref<8192x128xf32, #tpu.memory_space<vmem>>, vector<8192x128xf32>
    tpu.vector_store %arg3[%swap3A, %swap3A_4], %transpose3A_3 {strides = array<i32>} : memref<8192x128xf32, #tpu.memory_space<vmem>>, vector<8192x128xf32>,
    %get3A_6 = arith.constant 0 : index
    %get3A_7 = arith.constant 0 : index
    %get3A_8 = vector.load %arg2[%get3A_6, %get3A_7] : memref<32x32768xf32, #tpu.memory_space<vmem>>, vector<32x32768xf32>
    %reshape3A_9 = vector.shape_cast %get3A_8 : vector<32x32768xf32> to vector<32x4x8192xf32>
    %transpose3A_10 = tpu.transpose %reshape3A_9, [1, 0, 2] : vector<32x4x8192xf32> -> vector<4x32x8192xf32>
    %reshape3A_11 = vector.shape_cast %transpose3A_10 : vector<4x32x8192xf32> to vector<128x8192xf32>
    %transpose3A_12 = tpu.transpose %reshape3A_11, [1, 0] : vector<128x8192xf32> -> vector<8192x128xf32>
    %swap3A_13 = arith.constant 0 : index
    %swap3A_14 = arith.constant 0 : index
    %swap3A_15 = vector.load %arg4[%swap3A_13, %swap3A_14] : memref<8192x128xf32, #tpu.memory_space<vmem>>, vector<8192x128xf32>
    tpu.vector_store %arg4[%swap3A_13, %swap3A_14], %transpose3A_12 {strides = array<i32>} : memref<8192x128xf32, #tpu.memory_space<vmem>>, vector<8192x128xf32>,
    return
  }
  func.func @transform_0(%arg0: i32) -> (i32, i32) {
    %c0_i32 = arith.constant 0 : i32
    %c0_i32_0 = arith.constant 0 : i32
    return %c0_i32, %arg0 : i32, i32
  }
  func.func @transform_1(%arg0: i32) -> (i32, i32) {
    %c0_i32 = arith.constant 0 : i32
    %c0_i32_0 = arith.constant 0 : i32
    return %c0_i32, %arg0 : i32, i32
  }
  func.func @transform_2(%arg0: i32) -> (i32, i32) {
    %c0_i32 = arith.constant 0 : i32
    %c0_i32_0 = arith.constant 0 : i32
    return %arg0, %c0_i32 : i32, i32
  }
  func.func @transform_3(%arg0: i32) -> (i32, i32) {
    %c0_i32 = arith.constant 0 : i32
    %c0_i32_0 = arith.constant 0 : i32
    return %arg0, %c0_i32 : i32, i32
  }
}

</mosaic_0001>

<sc_bundles>
// kernel: _mf_dot.4.cloned.1.call-start
scs
__scs_entry_jumppad:
0x0: {  	(pc) =	sbr.rel $0x88, $3  }
0x1: {  	(tag) =	ssettag $0x0;
	lr =	simm.s32 $0x1  }
0x2: {  	[smem:$0x3F9D] =	sst lr;
	_ =	strace $0xD0000000  }
0x3: {  	_ = 	snop  }
0x4: {  	_ = 	snop  }
0x5: {  	_ = 	snop  }
0x6: {  	_ = 	snop  }
0x7: {  	_ = 	snop  }
__scs_overlays_trampoline_lowered:
0x8: {  	[smem:$0x3FAC] =	sst s0  }
0x9: {  	[smem:$0x3FAD] =	sst s1  }
0xa: {  	[smem:$0x3FAE] =	sst s2  }
0xb: {  	[smem:$0x3FAF] =	sst s3  }
0xc: {  	[smem:$0x3FB0] =	sst s4  }
0xd: {  	[smem:$0x3FB1] =	sst s5  }
0xe: {  	[smem:$0x3FB2] =	sst s6  }
0xf: {  	[smem:$0x3FB3] =	sst s7  }
0x10: {  	[smem:$0x3FB4] =	sst s8  }
0x11: {  	[smem:$0x3FB5] =	sst s9;
	s0 =	simm.s32 @!p0 $0x0  }
0x12: {  	s1 =	sld [smem:$0x3F9B];
	s0 =	simm.s32 @p0 $0x1  }
0x13: {  	[smem:$0x3FB6] =	sst s0;
	s0 =	simm.s32 @!p1 $0x0  }
0x14: {  	s2 =	sld [smem:$0x3F9A];
	s0 =	simm.s32 @p1 $0x1  }
0x15: {  	[smem:$0x3FB7] =	sst s0;
	s0 =	simm.s32 @!p2 $0x0  }
0x16: {  	s3 =	sld [smem:$0x3FDB];
	s0 =	simm.s32 @p2 $0x1  }
0x17: {  	s4 =	simm.s32 $0x1BF5;
	[smem:$0x3FB9] =	sst s0  }
0x18: {  	s0 =	sld [smem:$0x3F9C];
	_ =	swait.ge [sflag:s4], $0x0  }
0x19: {  	s7 =	sld [smem:$0x3F9D]  }
0x1a: {  	s8 =	sadd.s32 $0xFFFFE003, lr  }
0x1b: {  	s9 =	sadd.s32 $0xFFFFFEF7, lr;
	s5 =	simm.s32 $0xFFFFFFFF;
	p2 =	slt.u32 s8, $0xFFFFF086  }
0x1c: {  	p1 =	slt.u32 s9, $0xF7A;
	s5 =	simm.s32 @!p2 $0x0  }
0x1d: {  	s5 =	simm.s32 @p1 $0x1;
	p0 =	seq.s32 s7, s2  }
0x1e: {  	s7 =	smul.u32 @!p0 $0xF7A, s2;
	p2 =	seq.s32 @!p0 s5, $0x0  }
0x1f: {  	s9 =	smul.u32 $0xF7A, s1;
	s8 =	simm.s32 @!p0 $0x1BF5;
	p2 =	por !p2, p0  }
0x20: {  	[sflag:s8] =	ssyncset.s32 @!p0 $0xFFFFF086;
	s6 =	sadd.s32 @!p0 s3, s7;
	s7 =	simm.s32 @!p0 $0x108  }
0x21: {  	s3 =	sadd.s32 s3, s9;
	s6 =	sadd.s32 @!p0 $0x88, s6;
	s7 =	simm.s32 @p2 $0x1082  }
0x22: {  	[simem:s7], [sflag:s8] =	dma.local @!p0 [hbm:s6], $0xF7A  }
0x23: {  	s9 =	sor.u32 $0xD0000000, s2;
	s6 =	simm.s32 $0x108;
	_ =	swait.ge @!p0 [sflag:s8], $0x0  }
0x24: {  	s3 =	sadd.s32 $0x88, s3;
	s6 =	simm.s32 @!p1 $0x1082;
	[sflag:s4] =	ssyncset.s32 $0xFFFFF086  }
0x25: {  	[simem:s6], [sflag:s4] =	dma.local [hbm:s3], $0xF7A  }
0x26: {  	[smem:$0x3F9D] =	sst s1;
	(tag) =	ssettag s2;
	_ =	strace s9  }
0x27: {  	s1 =	sld [smem:$0x3FAD]  }
0x28: {  	s2 =	sld [smem:$0x3FAE]  }
0x29: {  	s4 =	sld [smem:$0x3FB0]  }
0x2a: {  	p0 =	seq.s32 s5, $0x0;
	s5 =	sld [smem:$0x3FB1]  }
0x2b: {  	s6 =	sld [smem:$0x3FB2]  }
0x2c: {  	s7 =	sld [smem:$0x3FB3]  }
0x2d: {  	s3 =	simm.s32 $0x108;
	s8 =	sld [smem:$0x3FB4]  }
0x2e: {  	s3 =	simm.s32 @!p0 $0x1082;
	s9 =	sld [smem:$0x3FB5]  }
0x2f: {  	lr =	sadd.s32 s0, s3;
	s0 =	sld [smem:$0x3FAC]  }
0x30: {  	s3 =	sld [smem:$0x3FAF]  }
0x31: {  	[smem:$0x3FB8] =	sst s10  }
0x32: {  	s10 =	sld [smem:$0x3FB6];
	_ =	sdelay $0x3  }
0x33: {  	p0 =	seq.s32 s10, $0x1;
	s10 =	sld [smem:$0x3FB8];
	_ =	sdelay $0x3  }
0x34: {  	[smem:$0x3FB8] =	sst s10  }
0x35: {  	s10 =	sld [smem:$0x3FB7];
	_ =	sdelay $0x3  }
0x36: {  	p1 =	seq.s32 s10, $0x1;
	s10 =	sld [smem:$0x3FB8];
	_ =	sdelay $0x3  }
0x37: {  	[smem:$0x3FB8] =	sst s10  }
0x38: {  	s10 =	sld [smem:$0x3FB9]  }
0x39: {  	_ = 	snop;
	(pc) =	sbr.ind lr, $3  }
0x3a: {  	_ = 	snop  }
0x3b: {  	_ = 	snop  }
0x3c: {  	p2 =	seq.s32 s10, $0x1;
	s10 =	sld [smem:$0x3FB8]  }
0x3d: {  	_ =	shalt  }
0x3e: {  	_ =	shalt  }
0x3f: {  	_ =	shalt  }
0x40: {  	_ =	shalt  }
0x41: {  	_ =	shalt  }
0x42: {  	_ =	shalt  }
0x43: {  	_ =	shalt  }
0x44: {  	_ =	shalt  }
0x45: {  	_ =	shalt  }
0x46: {  	_ =	shalt  }
0x47: {  	_ =	shalt  }
0x48: {  	_ =	shalt  }
0x49: {  	_ =	shalt  }
0x4a: {  	_ =	shalt  }
0x4b: {  	_ =	shalt  }
0x4c: {  	_ =	shalt  }
0x4d: {  	_ =	shalt  }
0x4e: {  	_ =	shalt  }
0x4f: {  	_ =	shalt  }
0x50: {  	_ =	shalt  }
0x51: {  	_ =	shalt  }
0x52: {  	_ =	shalt  }
0x53: {  	_ =	shalt  }
0x54: {  	_ =	shalt  }
0x55: {  	_ =	shalt  }
0x56: {  	_ =	shalt  }
0x57: {  	_ =	shalt  }
0x58: {  	_ =	shalt  }
0x59: {  	_ =	shalt  }
0x5a: {  	_ =	shalt  }
0x5b: {  	_ =	shalt  }
0x5c: {  	_ =	shalt  }
0x5d: {  	_ =	shalt  }
0x5e: {  	_ =	shalt  }
0x5f: {  	_ =	shalt  }
0x60: {  	_ =	shalt  }
0x61: {  	_ =	shalt  }
0x62: {  	_ =	shalt  }
0x63: {  	_ =	shalt  }
0x64: {  	_ =	shalt  }
0x65: {  	_ =	shalt  }
0x66: {  	_ =	shalt  }
0x67: {  	_ =	shalt  }
0x68: {  	_ =	shalt  }
0x69: {  	_ =	shalt  }
0x6a: {  	_ =	shalt  }
0x6b: {  	_ =	shalt  }
0x6c: {  	_ =	shalt  }
0x6d: {  	_ =	shalt  }
0x6e: {  	_ =	shalt  }
0x6f: {  	_ =	shalt  }
0x70: {  	_ =	shalt  }
0x71: {  	_ =	shalt  }
0x72: {  	_ =	shalt  }
0x73: {  	_ =	shalt  }
0x74: {  	_ =	shalt  }
0x75: {  	_ =	shalt  }
0x76: {  	_ =	shalt  }
0x77: {  	_ =	shalt  }
0x78: {  	_ =	shalt  }
0x79: {  	_ =	shalt  }
0x7a: {  	_ =	shalt  }
0x7b: {  	_ =	shalt  }
0x7c: {  	_ =	shalt  }
0x7d: {  	_ =	shalt  }
0x7e: {  	_ =	shalt  }
0x7f: {  	_ =	shalt  }
0x80: {  	_ =	shalt  }
0x81: {  	_ =	shalt  }
0x82: {  	_ =	shalt  }
0x83: {  	_ =	shalt  }
0x84: {  	_ =	shalt  }
0x85: {  	_ =	shalt  }
0x86: {  	_ =	shalt  }
0x87: {  	_ =	shalt  }
.Lfunc_end0:
.L_simem_size_0:
called_computation_lowered:
.L_overlay_start_0:
0x88: {  	s2 =	sld [smem:$0x3FD9]  }
0x89: {  	s3 =	sld [smem:$0x3FFE];
	_ =	sdelay $0x1  }
0x8a: {  	s1 =	srdreg.scid  }
0x8b: {  	s0 =	sand.u32 $0x1, s1  }
0x8c: {  	s17 =	sshll.u32 s0, $0xA;
	s2 =	sadd.s32 s3, s2  }
0x8d: {  	s2 =	sadd.s32 s2, s17  }
0x8e: {  	[smem:$0x3FC4] =	sst s2  }
0x8f: {  	_ = 	snop  }
0x90: {  	s2 =	sld [smem:$0x3FC9]  }
0x91: {  	s18 =	sld [smem:$0x3FC8]  }
0x92: {  	s4 =	sld [smem:$0x3FD0];
	(tm) =	ssettm $0x1  }
0x93: {  	s5 =	sld [smem:$0x3FFB];
	_ =	sdelay $0x3  }
0x94: {  	_ =	strace s5  }
0x95: {  	s5 =	sld [smem:$0x3FFC];
	_ =	sdelay $0x3  }
0x96: {  	_ =	strace s5  }
0x97: {  	s5 =	sld [smem:$0x3FFD];
	_ =	sdelay $0x3  }
0x98: {  	_ =	strace s5  }
0x99: {  	_ =	strace $0x8FFFFFFF  }
0x9a: {  	s19 =	sld [smem:$0x3FDB];
	_ =	sdelay $0x1  }
0x9b: {  	s6 =	simm.s32 $_scs_section_size  }
0x9c: {  	s7 =	simm.s32 $_size__tile_overlayer_lowered;
	s8 =	simm.s32 $_tile_overlayer_lowered  }
0x9d: {  	s22 =	simm.s32 $0x1BFF;
	s21 =	sshll.u32 s8, $0x1;
	s5 =	sadd.s32 s6, s19  }
0x9e: {  	s9 =	simm.s32 $0x0;
	s20 =	sshll.u32 s7, $0x1;
	s7 =	sadd.s32 s21, s5  }
0x9f: {  	[timem:s9], [sflag:s22] =	dma.local [hbm:s7], s20  }
0xa0: {  	_ =	swait.ge [sflag:s22], s20  }
0xa1: {  	s6 =	ssub.s32 $0x0, s20;
	[sflag:s22] =	ssyncset.done $0x0  }
0xa2: {  	[sflag:s22] =	ssyncadd.s32 s6;
	_ =	sdelay $0x1  }
0xa3: {  	s23 =	simm.s32 $0x1B8B  }
0xa4: {  	_ =	swait.ge [sflag:s23], $0x1  }
0xa5: {  	[sflag:s23] =	ssyncset.done $0x0  }
0xa6: {  	s25 =	simm.s32 $0x1B8E;
	s24 =	sld [smem:$0x3FFE];
	[sflag:s23] =	ssyncadd.s32 $0xFFFFFFFF  }
0xa7: {  	s26 =	simm.s32 $execute0_lowered;
	[smem:$0x3FD2] =	sst s25  }
0xa8: {  	s7 =	sshll.u32 s26, $0x1;
	_ =	strace $0x80000046;
	[dreg:$0x1] =	wrdreg $0xFFFFFFFF  }
0xa9: {  	s28 =	simm.s32 $_size_execute0_lowered;
	s5 =	sadd.s32 s5, s7;
	[dreg:$0x0] =	wrdreg $0x0  }
0xaa: {  	s7 =	sshll.u32 s28, $0x1;
	[dreg:$0x2] =	wrdreg s5  }
0xab: {  	[dreg:$0x3] =	wrdreg s7  }
0xac: {  	[dreg:$0x4] =	wrdreg $0xC0  }
0xad: {  	_ =	task [dreg:s9], $0x5FFFF  }
0xae: {  	[dreg:$0x1] =	wrdreg $0xFFFFFFFF  }
0xaf: {  	[dreg:$0x0] =	wrdreg $0x60  }
0xb0: {  	[dreg:$0x2] =	wrdreg s24  }
0xb1: {  	[dreg:$0x3] =	wrdreg s2  }
0xb2: {  	[dreg:$0x4] =	wrdreg s18  }
0xb3: {  	[dreg:$0x5] =	wrdreg s4  }
0xb4: {  	[dreg:$0x6] =	wrdreg $0x9  }
0xb5: {  	_ =	task.clear_ibuf [dreg:s9], $0x7FFFF;
	_ =	strace $0x90000046  }
0xb6: {  	s29 =	simm.s32 $0x9;
	_ =	strace $0x80000048  }
0xb7: {  	_ =	swait.ge [sflag:s29], $0x1  }
0xb8: {  	[sflag:s29] =	ssyncadd.s32 $0xFFFFFFFF  }
0xb9: {  	_ =	strace $0x90000048  }
0xba: {  	_ =	sfence  }
0xbb: {  	s30 =	sld [smem:$0x0];
	_ =	sdelay $0x2  }
0xbc: {  	s31 =	sshll.u32 s1, $0xD;
	s1 =	sshrl.u32 s1, $0x2  }
0xbd: {  	s3 =	sand.u32 $0x4000, s31;
	s1 =	sadd.s32 s1, s30  }
0xbe: {  	s0 =	sor.u32 s3, s0;
	s1 =	sshll.u32 s1, $0x11  }
0xbf: {  	s0 =	sor.u32 s1, s0  }
0xc0: {  	s0 =	sadd.s32 $0x8F2B, s0  }
0xc1: {  	[sflag:s0] =	ssyncadd.remote.s32 $0x1  }
0xc2: {  	_ =	sfence.sel $0xFFFF  }
0xc3: {  	[dreg:$0x0] =	wrdreg $0xFFFFFFFF;
	(pc) =	sbr.abs _section_cstart, $3  }
0xc4: {  	[dreg:$0x1] =	wrdreg $0xFFFFFFFF  }
0xc5: {  	_ =	task.clear_ibuf [dreg:s9], $0x2FFFF;
	_ =	strace $0x9FFFFFFF  }
0xc6: {  	(tm) =	ssettm $0x7FFFFFFF  }
0xc7: {  	_ =	shalt  }
tec
execute0_lowered:
.L_overlay_start_1:
0x0: {  	(tag) =	ssettag $0x1  }
0x1: {  	v0 =	vimm.s32 $0x14131211;
	v1 =	vimm.s32 $0x18171615  }
0x2: {  	vm0 =	vcmask $0x1F10;
	v3 =	vimm.s32 $0x1C1B1A19;
	v4 =	vimm.s32 $0x1F1E1D  }
0x3: {  	v5 =	vimm.s32 $0x15141312;
	v6 =	vimm.s32 $0x16151413;
	v8 =	vimm.s32 $0x1A191817  }
0x4: {  	v9 =	vimm.s32 $0x1D1C1B1A;
	v11 =	vimm.s32 $0x3020100;
	v13 =	vimm.s32 $0x1E1D1C1B  }
0x5: {  	v14 =	vimm.s32 $0x1B1A1918;
	v16 =	vimm.s32 $0x201001F;
	v18 =	vimm.s32 $0x5040302  }
0x6: {  	v19 =	vimm.s32 $0x32107654;
	v20 =	vimm.s32 $0x6050403;
	vm2 =	vcmask $0x2F10  }
0x7: {  	v23 =	vimm.s32 $0xB0A0908;
	v24 =	vimm.s32 $0x54329876;
	vm1 =	vcmask $0x3F30  }
0x8: {  	v26 =	vimm.s32 $0xD0C0B0A;
	v2 =	vunpack.c.0.s8.s32 v0;
	v0 =	vunpack.c.0.s8.s32 v1  }
0x9: {  	v1 =	vlaneseq.u32;
	v3 =	vunpack.c.0.s8.s32 v3;
	v7 =	vunpack.c.0.s8.s32 v5  }
0xa: {  	v5 =	vimm.s32 $0x19181716;
	v10 =	vunpack.c.0.s8.s32 v6;
	v15 =	vunpack.c.0.s8.s32 v11  }
0xb: {  	v11 =	vimm.s32 $0x1F1E1D1C;
	[tilespmem:$0x1FF90] =	vst v0;
	v0 =	vsel vm0, v0, v2;
	v2 =	vunpack.c.0.s8.s32 v5  }
0xc: {  	v13 =	vunpack.c.0.s8.s32 v13;
	[tilespmem:$0x1FFA0] =	vst v0;
	v0 =	vunpack.c.0.s8.s32 v4;
	v4 =	vunpack.c.0.s8.s32 v8  }
0xd: {  	v6 =	vunpack.c.0.s8.s32 v16;
	v18 =	vunpack.c.0.s8.s32 v18;
	[tilespmem:$0x1FFB0] =	vst v2;
	v2 =	vsel vm0, v2, v7  }
0xe: {  	v19 =	vunpack.c.l.s4.s8 v19;
	v21 =	vunpack.c.0.s8.s32 v20;
	[tilespmem:$0x1FFC0] =	vst v2;
	v2 =	vsel vm0, v4, v10  }
0xf: {  	v20 =	vimm.s32 $0x43218765;
	v23 =	vunpack.c.0.s8.s32 v23;
	[tilespmem:$0x1FFE0] =	vst v2;
	v2 =	vimm.s32 $0x17161514  }
0x10: {  	v24 =	vunpack.c.l.s4.s8 v24;
	v17 =	vunpack.c.0.s8.s32 v2;
	v2 =	vunpack.c.0.s8.s32 v14  }
0x11: {  	v20 =	vunpack.c.l.s4.s8 v20;
	v19 =	vunpack.c.0.s8.s32 v19;
	v8 =	vunpack.c.0.s8.s32 v9  }
0x12: {  	v9 =	vimm.s32 $0x1001F1E;
	v16 =	vsel vm0, v2, v17;
	v17 =	vimm.s32 $0x4030201  }
0x13: {  	v26 =	vunpack.c.0.s8.s32 v26;
	v5 =	vunpack.c.0.s8.s32 v9;
	v17 =	vunpack.c.0.s8.s32 v17  }
0x14: {  	s4 =	rddreg [dreg:$0x0];
	v20 =	vunpack.c.0.s8.s32 v20;
	v19 =	vand.u32 $0xF, v19;
	[tilespmem:$0x1FFD0] =	vst v4;
	v4 =	vunpack.c.0.s8.s32 v11  }
0x15: {  	s5 =	rddreg [dreg:$0x1];
	v14 =	vmovc v2;
	v2 =	vsel vm0, v17, v0;
	v17 =	vsel vm0, v18, v5;
	v18 =	vimm.s32 $0x76543210  }
0x16: {  	s6 =	rddreg [dreg:$0x2];
	v19 =	vsel vm2, v19, v4;
	v22 =	vunpack.c.l.s4.s8 v18;
	v18 =	vimm.s32 $0x87654321  }
0x17: {  	s7 =	rddreg [dreg:$0x3];
	v25 =	vunpack.c.l.s4.s8 v18;
	v18 =	vsel vm1, v23, v19;
	v19 =	vand.u32 $0xF, v20  }
0x18: {  	s0 =	rddreg [dreg:$0x4];
	s1 =	simm.s32 $0x0;
	v20 =	vimm.s32 $0xC0B0A09;
	v23 =	vunpack.c.0.s8.s32 v24;
	v24 =	vimm.s32 $0x6543A987  }
0x19: {  	s8 =	srdreg.scid;
	s2 =	stileid.u32;
	s12 =	simm.s32 $0x800;
	v21 =	vsel vm0, v21, v6;
	v20 =	vunpack.c.0.s8.s32 v20;
	v24 =	vunpack.c.l.s4.s8 v24  }
0x1a: {  	s13 =	simm.s32 $0x8800;
	s14 =	simm.s32 $0x4800;
	s15 =	simm.s32 $0xC800;
	v15 =	vsel vm0, v15, v4;
	v19 =	vsel vm2, v19, v0;
	v23 =	vand.u32 $0xF, v23  }
0x1b: {  	s16 =	simm.s32 $0x1;
	s17 =	simm.s32 $0x10800;
	s18 =	simm.s32 $0x0;
	v19 =	vsel vm1, v20, v19;
	v20 =	vsel vm2, v23, v5;
	v23 =	vunpack.c.0.s8.s32 v24  }
0x1c: {  	[smem:$0x7FF] =	sst s1;
	s3 =	sadd.s32 $0x600, s4;
	s8 =	sand.u32 $0x1, s8;
	v24 =	vimm.s32 $0x98765432;
	v20 =	vsel vm1, v26, v20;
	v26 =	vimm.s32 $0xA9876543  }
0x1d: {  	s10 =	sshll.u32 s2, $0x7;
	s9 =	ssub.s32 $0x2, s8;
	s8 =	sshll.u32 s8, $0x6;
	v24 =	vunpack.c.l.s4.s8 v24;
	v26 =	vunpack.c.l.s4.s8 v26;
	v23 =	vand.u32 $0xF, v23  }
0x1e: {  	s4 =	sadd.s32 $0x3E0600, s4;
	s11 =	sshrl.u32 s9, $0x1;
	s8 =	sor.u32 s8, s10;
	v25 =	vunpack.c.0.s8.s32 v25;
	v27 =	vsel vm2, v23, v6;
	v23 =	vimm.s32 $0xE0D0C0B  }
0x1f: {  	s10 =	simm.s32 $0x200;
	s9 =	ssub.s32 s9, s11;
	s5 =	sadd.s32 s5, s8;
	v24 =	vunpack.c.0.s8.s32 v24;
	v26 =	vunpack.c.0.s8.s32 v26;
	v28 =	vunpack.c.0.s8.s32 v23  }
0x20: {  	s6 =	sadd.s32 s6, s8;
	s7 =	sadd.s32 s7, s8;
	s11 =	simm.s32 $0x80;
	v9 =	vmovc v0;
	v11 =	vmovc v5;
	v15 =	vcombine.low v16, v15;
	[tilespmem:$0x1FFF0] =	vst v2;
	v22 =	vunpack.c.0.s8.s32 v22;
	v23 =	vand.u32 $0xF, v25  }
0x21: {  	s8 =	smax.u32 s9, $0x1;
	s9 =	simm.s32 $0x2;
	v12 =	vmovc v4;
	v16 =	vmovc v6;
	_ =	strace $0x80000047;
	v24 =	vand.u32 $0xF, v24;
	v25 =	vand.u32 $0xF, v26;
	v26 =	vsel vm1, v28, v27  }
.LBB2_1:
0x22: {  	[tilespmem:s1], [sflag:$0x2] =	stream.linear.gather [hbm4b:s5+s1], $0x200, $0x38;
	[tilespmem:$0x10A00] =	vst v63  }
0x23: {  	_ =	swait.ge [sflag:s9], $0x200  }
0x24: {  	[sflag:s9] =	ssyncset.done $0x0  }
0x25: {  	[sflag:s9] =	ssyncadd.s32 $0xFFFFFE00  }
0x26: {  	[tilespmem:s10], [sflag:$0x2] =	stream.linear.gather [hbm4b:s6+s1], $0x200, $0x38;
	[tilespmem:$0x10A00] =	vst v63  }
0x27: {  	_ =	swait.ge [sflag:s9], $0x200  }
0x28: {  	[sflag:s9] =	ssyncset.done $0x0  }
0x29: {  	[sflag:s9] =	ssyncadd.s32 $0xFFFFFE00  }
0x2a: {  	v27 =	vld [tilespmem:$0x0]  }
0x2b: {  	v28 =	vld [tilespmem:$0x10]  }
0x2c: {  	v29 =	vld [tilespmem:$0x20]  }
0x2d: {  	v30 =	vld [tilespmem:$0x30]  }
0x2e: {  	v32 =	vld [tilespmem:$0x40]  }
0x2f: {  	v34 =	vld [tilespmem:$0x50]  }
0x30: {  	v51 =	vld [tilespmem:$0x60]  }
0x31: {  	v36 =	vld [tilespmem:$0x70]  }
0x32: {  	v37 =	vld [tilespmem:$0x80]  }
0x33: {  	v55 =	vld [tilespmem:$0x90]  }
0x34: {  	v39 =	vld [tilespmem:$0xA0]  }
0x35: {  	v40 =	vld [tilespmem:$0xB0];
	v31 =	vshrl.u32 v27, $0x2;
	v33 =	vshrl.u32 v28, $0x2;
	v27 =	vand.u32 $0x1FFF, v27  }
0x36: {  	v59 =	vld [tilespmem:$0xC0];
	v28 =	vand.u32 $0x1FFF, v28;
	v50 =	vshrl.u32 v29, $0x2;
	v29 =	vand.u32 $0x1FFF, v29  }
0x37: {  	v63 =	vld [tilespmem:$0xF0];
	v35 =	vshrl.u32 v30, $0x2;
	v53 =	vshrl.u32 v32, $0x2;
	v30 =	vand.u32 $0x1FFF, v30  }
0x38: {  	v32 =	vand.u32 $0x1FFF, v32;
	v54 =	vshrl.u32 v34, $0x2;
	v34 =	vand.u32 $0x1FFF, v34  }
0x39: {  	v38 =	vshrl.u32 v51, $0x2;
	v57 =	vshrl.u32 v36, $0x2;
	v36 =	vand.u32 $0x1FFF, v36  }
0x3a: {  	v58 =	vshrl.u32 v37, $0x2;
	v37 =	vand.u32 $0x1FFF, v37;
	v41 =	vshrl.u32 v55, $0x2  }
0x3b: {  	v61 =	vshrl.u32 v39, $0x2;
	v39 =	vand.u32 $0x1FFF, v39;
	v62 =	vshrl.u32 v40, $0x2  }
0x3c: {  	v42 =	vld [tilespmem:$0xD0];
	v40 =	vand.u32 $0x1FFF, v40;
	v44 =	vshrl.u32 v59, $0x2;
	v47 =	vshrl.u32 v63, $0x2  }
0x3d: {  	v43 =	vld [tilespmem:$0xE0];
	v31 =	vand.u32 $0x3FFFE000, v31;
	v33 =	vand.u32 $0x3FFFE000, v33;
	v52 =	vand.u32 $0x3FFFE000, v35  }
0x3e: {  	v35 =	vand.u32 $0x3FFFE000, v53;
	v56 =	vand.u32 $0x3FFFE000, v38;
	v38 =	vand.u32 $0x3FFFE000, v57  }
0x3f: {  	v60 =	vand.u32 $0x3FFFE000, v41;
	v41 =	vand.u32 $0x3FFFE000, v61;
	v49 =	vand.u32 $0x3FFFE000, v44  }
0x40: {  	v45 =	vld [tilespmem:$0x100];
	v53 =	vand.u32 $0x3FFFE000, v47;
	v27 =	vor.u32 v27, v31;
	v28 =	vor.u32 v28, v33  }
0x41: {  	v46 =	vld [tilespmem:$0x110];
	v31 =	vand.u32 $0x3FFFE000, v50;
	v30 =	vor.u32 v30, v52;
	v33 =	vand.u32 $0x1FFF, v51  }
0x42: {  	v50 =	vshrl.u32 v42, $0x2;
	v42 =	vand.u32 $0x1FFF, v42;
	v51 =	vshrl.u32 v43, $0x2  }
0x43: {  	v43 =	vand.u32 $0x1FFF, v43;
	v29 =	vor.u32 v29, v31;
	v31 =	vor.u32 v32, v35  }
0x44: {  	v48 =	vld [tilespmem:$0x130];
	v32 =	vand.u32 $0x3FFFE000, v54;
	v33 =	vor.u32 v33, v56;
	v35 =	vand.u32 $0x1FFF, v55  }
0x45: {  	v44 =	vand.u32 $0x3FFFE000, v50;
	v54 =	vshrl.u32 v45, $0x2;
	v45 =	vand.u32 $0x1FFF, v45  }
0x46: {  	v55 =	vshrl.u32 v46, $0x2;
	v56 =	vand.u32 $0x1FFF, v46;
	v32 =	vor.u32 v34, v32  }
0x47: {  	v34 =	vor.u32 v36, v38;
	v36 =	vand.u32 $0x3FFFE000, v58;
	v35 =	vor.u32 v35, v60  }
0x48: {  	[tilespmem:$0x400] =	vst v27;
	v38 =	vand.u32 $0x1FFF, v59;
	v47 =	vand.u32 $0x3FFFE000, v54;
	v27 =	vand.u32 $0x3FFFE000, v55  }
0x49: {  	v52 =	vld [tilespmem:$0x120];
	v59 =	vshrl.u32 v48, $0x2;
	v36 =	vor.u32 v37, v36;
	v37 =	vor.u32 v39, v41  }
0x4a: {  	v50 =	vld [tilespmem:$0x160];
	v39 =	vand.u32 $0x3FFFE000, v62;
	v38 =	vor.u32 v38, v49;
	v41 =	vand.u32 $0x1FFF, v63  }
0x4b: {  	v49 =	vld [tilespmem:$0x140];
	v27 =	vor.u32 v56, v27;
	v61 =	vand.u32 $0x3FFFE000, v59;
	v62 =	vand.u32 $0x1FFF, v48  }
0x4c: {  	[tilespmem:$0x410] =	vst v28;
	v63 =	vld [tilespmem:$0x170];
	v39 =	vor.u32 v40, v39;
	v40 =	vor.u32 v42, v44;
	v42 =	vand.u32 $0x3FFFE000, v51  }
0x4d: {  	[tilespmem:$0x420] =	vst v29;
	v55 =	vld [tilespmem:$0x190];
	v41 =	vor.u32 v41, v53;
	v29 =	vor.u32 v62, v61;
	v42 =	vor.u32 v43, v42  }
0x4e: {  	[tilespmem:$0x430] =	vst v30;
	v43 =	vor.u32 v45, v47;
	v47 =	vld [tilespmem:$0x150];
	v57 =	vshrl.u32 v52, $0x2;
	v60 =	vand.u32 $0x1FFF, v52  }
0x4f: {  	[tilespmem:$0x460] =	vst v33;
	v52 =	vld [tilespmem:$0x180];
	v58 =	vand.u32 $0x3FFFE000, v57;
	v57 =	vshrl.u32 v50, $0x2;
	v59 =	vand.u32 $0x1FFF, v50  }
0x50: {  	[tilespmem:$0x450] =	vst v32;
	v28 =	vor.u32 v60, v58;
	v32 =	vand.u32 $0x3FFFE000, v57;
	v51 =	vshrl.u32 v49, $0x2  }
0x51: {  	[tilespmem:$0x4F0] =	vst v41;
	v41 =	vld [tilespmem:$0x210];
	v53 =	vand.u32 $0x1FFF, v49;
	v32 =	vor.u32 v59, v32;
	v61 =	vshrl.u32 v63, $0x2  }
0x52: {  	[tilespmem:$0x470] =	vst v34;
	v34 =	vld [tilespmem:$0x1B0];
	v62 =	vand.u32 $0x1FFF, v63;
	v30 =	vand.u32 $0x3FFFE000, v51;
	v33 =	vand.u32 $0x3FFFE000, v61  }
0x53: {  	v60 =	vld [tilespmem:$0x1A0];
	v51 =	vshrl.u32 v55, $0x2;
	v54 =	vshrl.u32 v47, $0x2;
	v30 =	vor.u32 v53, v30  }
0x54: {  	[tilespmem:$0x440] =	vst v31;
	v49 =	vld [tilespmem:$0x1C0];
	v58 =	vand.u32 $0x1FFF, v47;
	v63 =	vshrl.u32 v52, $0x2;
	v33 =	vor.u32 v62, v33  }
0x55: {  	[tilespmem:$0x480] =	vst v36;
	v59 =	vld [tilespmem:$0x1F0];
	v52 =	vand.u32 $0x1FFF, v52;
	v36 =	vand.u32 $0x3FFFE000, v51;
	v53 =	vand.u32 $0x1FFF, v55  }
0x56: {  	[tilespmem:$0x490] =	vst v35;
	v47 =	vand.u32 $0x1FFF, v41;
	v56 =	vand.u32 $0x3FFFE000, v54;
	v50 =	vand.u32 $0x3FFFE000, v63  }
0x57: {  	[tilespmem:$0x4A0] =	vst v37;
	v36 =	vor.u32 v53, v36;
	v31 =	vor.u32 v58, v56;
	v35 =	vor.u32 v52, v50  }
0x58: {  	[tilespmem:$0x4C0] =	vst v38;
	v54 =	vld [tilespmem:$0x1D0];
	v55 =	vshrl.u32 v60, $0x2;
	v57 =	vand.u32 $0x1FFF, v60;
	v58 =	vshrl.u32 v34, $0x2  }
0x59: {  	[tilespmem:$0x510] =	vst v27;
	v63 =	vld [tilespmem:$0x200];
	v34 =	vand.u32 $0x1FFF, v34;
	v37 =	vand.u32 $0x3FFFE000, v55;
	v60 =	vand.u32 $0x3FFFE000, v58  }
0x5a: {  	[tilespmem:$0x4B0] =	vst v39;
	v56 =	vld [tilespmem:$0x1E0];
	v61 =	vshrl.u32 v49, $0x2;
	v62 =	vand.u32 $0x1FFF, v49;
	v52 =	vshrl.u32 v59, $0x2  }
0x5b: {  	[tilespmem:$0x4D0] =	vst v40;
	v50 =	vld [tilespmem:$0x220];
	v55 =	vand.u32 $0x1FFF, v59;
	v37 =	vor.u32 v57, v37;
	v40 =	vand.u32 $0x3FFFE000, v61  }
0x5c: {  	[tilespmem:$0x530] =	vst v29;
	v34 =	vor.u32 v34, v60;
	v61 =	vshrl.u32 v41, $0x2;
	v38 =	vor.u32 v62, v40  }
0x5d: {  	[tilespmem:$0x4E0] =	vst v42;
	v58 =	vld [tilespmem:$0x240];
	v46 =	vshrl.u32 v54, $0x2;
	v48 =	vand.u32 $0x1FFF, v54;
	v54 =	vand.u32 $0x3FFFE000, v52  }
0x5e: {  	[tilespmem:$0x500] =	vst v43;
	v62 =	vld [tilespmem:$0x250];
	v57 =	vshrl.u32 v63, $0x2;
	v60 =	vand.u32 $0x1FFF, v63;
	v63 =	vand.u32 $0x3FFFE000, v61  }
0x5f: {  	[tilespmem:$0x520] =	vst v28;
	v61 =	vld [tilespmem:$0x2A0];
	v40 =	vand.u32 $0x3FFFE000, v46;
	v49 =	vshrl.u32 v56, $0x2;
	v53 =	vand.u32 $0x1FFF, v56  }
0x60: {  	[tilespmem:$0x560] =	vst v32;
	v56 =	vld [tilespmem:$0x230];
	v29 =	vor.u32 v55, v54;
	v59 =	vand.u32 $0x3FFFE000, v57;
	v46 =	vshrl.u32 v50, $0x2  }
0x61: {  	[tilespmem:$0x550] =	vst v31;
	v31 =	vor.u32 v47, v63;
	v54 =	vld [tilespmem:$0x280];
	v27 =	vor.u32 v48, v40;
	v51 =	vand.u32 $0x3FFFE000, v49  }
0x62: {  	[tilespmem:$0x540] =	vst v30;
	v30 =	vor.u32 v60, v59;
	v39 =	vand.u32 $0x3FFFE000, v46;
	v48 =	vand.u32 $0x1FFF, v50  }
0x63: {  	[tilespmem:$0x570] =	vst v33;
	v49 =	vld [tilespmem:$0x260];
	v57 =	vand.u32 $0x1FFF, v58;
	v28 =	vor.u32 v53, v51;
	v53 =	vshrl.u32 v58, $0x2  }
0x64: {  	[tilespmem:$0x590] =	vst v36;
	v59 =	vld [tilespmem:$0x290];
	v32 =	vor.u32 v48, v39;
	v55 =	vand.u32 $0x3FFFE000, v53;
	v58 =	vand.u32 $0x1FFF, v62  }
0x65: {  	[tilespmem:$0x5B0] =	vst v34;
	v51 =	vld [tilespmem:$0x270];
	v34 =	vor.u32 v57, v55;
	v55 =	vshrl.u32 v61, $0x2;
	v50 =	vshrl.u32 v56, $0x2  }
0x66: {  	[tilespmem:$0x580] =	vst v35;
	v52 =	vand.u32 $0x1FFF, v56;
	v56 =	vshrl.u32 v62, $0x2;
	v47 =	vshrl.u32 v54, $0x2  }
0x67: {  	v45 =	vld [tilespmem:$0x2B0];
	[tilespmem:$0x5A0] =	vst v37;
	v57 =	vand.u32 $0x3FFFE000, v55;
	v33 =	vand.u32 $0x3FFFE000, v50;
	v36 =	vand.u32 $0x3FFFE000, v56  }
0x68: {  	[tilespmem:$0x5C0] =	vst v38;
	v60 =	vshrl.u32 v49, $0x2;
	v62 =	vand.u32 $0x1FFF, v49;
	v38 =	vand.u32 $0x3FFFE000, v47  }
0x69: {  	[tilespmem:$0x5F0] =	vst v29;
	v49 =	vand.u32 $0x1FFF, v54;
	v54 =	vand.u32 $0x1FFF, v59;
	v33 =	vor.u32 v52, v33  }
0x6a: {  	[tilespmem:$0x610] =	vst v31;
	v50 =	vld [tilespmem:$0x2C0];
	v35 =	vor.u32 v58, v36;
	v36 =	vand.u32 $0x3FFFE000, v60;
	v63 =	vshrl.u32 v51, $0x2  }
0x6b: {  	[tilespmem:$0x5D0] =	vst v27;
	v56 =	vld [tilespmem:$0x2E0];
	v48 =	vand.u32 $0x1FFF, v51;
	v29 =	vor.u32 v49, v38;
	v51 =	vshrl.u32 v59, $0x2  }
0x6c: {  	[tilespmem:$0x600] =	vst v30;
	v52 =	vld [tilespmem:$0x2D0];
	v58 =	vshrl.u32 v45, $0x2;
	v59 =	vand.u32 $0x1FFF, v61;
	v60 =	vand.u32 $0x1FFF, v45  }
0x6d: {  	[tilespmem:$0x5E0] =	vst v28;
	v61 =	vld [tilespmem:$0x2F0];
	v27 =	vor.u32 v62, v36;
	v46 =	vand.u32 $0x3FFFE000, v63;
	v53 =	vand.u32 $0x3FFFE000, v51  }
0x6e: {  	[tilespmem:$0x620] =	vst v32;
	v36 =	vand.u32 $0x3FFFE000, v58;
	v31 =	vor.u32 v59, v57;
	v28 =	vor.u32 v48, v46  }
0x6f: {  	[tilespmem:$0x640] =	vst v34;
	v63 =	vld [tilespmem:$0x300];
	v30 =	vor.u32 v54, v53;
	v32 =	vor.u32 v60, v36;
	v62 =	vshrl.u32 v50, $0x2  }
0x70: {  	[tilespmem:$0x630] =	vst v33;
	v57 =	vld [tilespmem:$0x340];
	v44 =	vand.u32 $0x1FFF, v50;
	v48 =	vshrl.u32 v56, $0x2;
	v49 =	vand.u32 $0x1FFF, v56  }
0x71: {  	v46 =	vld [tilespmem:$0x310];
	[tilespmem:$0x660] =	vst v27;
	v33 =	vand.u32 $0x3FFFE000, v62;
	v45 =	vshrl.u32 v52, $0x2;
	v27 =	vand.u32 $0x1FFF, v52  }
0x72: {  	[tilespmem:$0x650] =	vst v35;
	v53 =	vld [tilespmem:$0x330];
	v35 =	vand.u32 $0x3FFFE000, v48;
	v52 =	vshrl.u32 v61, $0x2;
	v55 =	vand.u32 $0x1FFF, v61  }
0x73: {  	v41 =	vld [tilespmem:$0x360];
	[tilespmem:$0x680] =	vst v29;
	v33 =	vor.u32 v44, v33;
	v47 =	vand.u32 $0x3FFFE000, v45;
	v51 =	vor.u32 v49, v35  }
0x74: {  	[tilespmem:$0x6A0] =	vst v31;
	v54 =	vand.u32 $0x3FFFE000, v52;
	v56 =	vshrl.u32 v63, $0x2;
	v60 =	vand.u32 $0x1FFF, v63  }
0x75: {  	[tilespmem:$0x670] =	vst v28;
	v50 =	vld [tilespmem:$0x320];
	v48 =	vand.u32 $0x1FFF, v57;
	v27 =	vor.u32 v27, v47;
	v29 =	vor.u32 v55, v54  }
0x76: {  	[tilespmem:$0x690] =	vst v30;
	v62 =	vld [tilespmem:$0x350];
	v58 =	vand.u32 $0x3FFFE000, v56;
	v59 =	vshrl.u32 v46, $0x2;
	v61 =	vand.u32 $0x1FFF, v46  }
0x77: {  	[tilespmem:$0x6B0] =	vst v32;
	v44 =	vld [tilespmem:$0x370];
	v43 =	vshrl.u32 v53, $0x2;
	v46 =	vshrl.u32 v57, $0x2;
	v47 =	vand.u32 $0x1FFF, v53  }
0x78: {  	v49 =	vld [tilespmem:$0x380];
	[tilespmem:$0x6C0] =	vst v33;
	v55 =	vshrl.u32 v41, $0x2;
	v34 =	vand.u32 $0x3FFFE000, v59;
	v30 =	vor.u32 v60, v58  }
0x79: {  	v52 =	vld [tilespmem:$0x390];
	[tilespmem:$0x6E0] =	vst v51;
	v45 =	vand.u32 $0x3FFFE000, v43;
	v33 =	vand.u32 $0x3FFFE000, v46;
	v57 =	vand.u32 $0x3FFFE000, v55  }
0x7a: {  	[tilespmem:$0x6D0] =	vst v27;
	v63 =	vor.u32 v61, v34;
	v40 =	vshrl.u32 v50, $0x2;
	v42 =	vand.u32 $0x1FFF, v50  }
0x7b: {  	v56 =	vld [tilespmem:$0x3A0];
	[tilespmem:$0x6F0] =	vst v29;
	v28 =	vor.u32 v47, v45;
	v50 =	vor.u32 v48, v33;
	v32 =	vand.u32 $0x3FFFE000, v40  }
0x7c: {  	[tilespmem:$0x700] =	vst v30;
	v51 =	vshrl.u32 v62, $0x2;
	v54 =	vand.u32 $0x1FFF, v62;
	v27 =	vor.u32 v42, v32  }
0x7d: {  	v60 =	vld [tilespmem:$0x3B0];
	[tilespmem:$0x710] =	vst v63;
	v53 =	vand.u32 $0x3FFFE000, v51;
	v58 =	vshrl.u32 v44, $0x2;
	v59 =	vand.u32 $0x1FFF, v44  }
0x7e: {  	v43 =	vld [tilespmem:$0x3D0];
	[tilespmem:$0x730] =	vst v28;
	v62 =	vshrl.u32 v49, $0x2;
	v42 =	vshrl.u32 v52, $0x2;
	v30 =	vor.u32 v54, v53  }
0x7f: {  	[tilespmem:$0x720] =	vst v27;
	v27 =	vand.u32 $0x1FFF, v41;
	v32 =	vand.u32 $0x3FFFE000, v58;
	v40 =	vand.u32 $0x3FFFE000, v62  }
0x80: {  	v63 =	vld [tilespmem:$0x3C0];
	[tilespmem:$0x740] =	vst v50;
	v41 =	vand.u32 $0x1FFF, v49;
	v44 =	vand.u32 $0x3FFFE000, v42;
	v45 =	vshrl.u32 v56, $0x2  }
0x81: {  	v46 =	vand.u32 $0x1FFF, v56;
	v27 =	vor.u32 v27, v57;
	v61 =	vor.u32 v59, v32;
	[tilespmem:$0x750] =	vst v30  }
0x82: {  	v47 =	vld [tilespmem:$0x3E0];
	v29 =	vor.u32 v41, v40;
	v31 =	vand.u32 $0x3FFFE000, v45;
	v49 =	vshrl.u32 v60, $0x2;
	[tilespmem:$0x760] =	vst v27  }
0x83: {  	v50 =	vld [tilespmem:$0x3F0];
	v55 =	vshrl.u32 v43, $0x2;
	v57 =	vand.u32 $0x1FFF, v43;
	v27 =	vand.u32 $0x1FFF, v52;
	[tilespmem:$0x770] =	vst v61  }
0x84: {  	v48 =	vor.u32 v46, v31;
	[tilespmem:$0x780] =	vst v29;
	v51 =	vand.u32 $0x3FFFE000, v49;
	v52 =	vand.u32 $0x1FFF, v60  }
0x85: {  	v30 =	vand.u32 $0x3FFFE000, v55;
	v27 =	vor.u32 v27, v44;
	v53 =	vshrl.u32 v63, $0x2;
	[tilespmem:$0x7A0] =	vst v48  }
0x86: {  	v56 =	vand.u32 $0x1FFF, v63;
	[tilespmem:$0x790] =	vst v27;
	v27 =	vor.u32 v52, v51;
	v54 =	vand.u32 $0x3FFFE000, v53  }
0x87: {  	v59 =	vshrl.u32 v47, $0x2;
	v60 =	vand.u32 $0x1FFF, v47;
	[tilespmem:$0x7B0] =	vst v27;
	v27 =	vor.u32 v56, v54  }
0x88: {  	v58 =	vor.u32 v57, v30;
	v61 =	vshrl.u32 v50, $0x2;
	[tilespmem:$0x7C0] =	vst v27;
	v27 =	vand.u32 $0x3FFFE000, v59  }
0x89: {  	v63 =	vand.u32 $0x1FFF, v50;
	[tilespmem:$0x7D0] =	vst v58;
	v62 =	vand.u32 $0x3FFFE000, v61;
	v27 =	vor.u32 v60, v27  }
0x8a: {  	[tilespmem:$0x7E0] =	vst v27;
	v27 =	vor.u32 v63, v62  }
0x8b: {  	p1 =	por $0x1, $0x1;
	s19 =	simm.s32 $0x0;
	[tilespmem:$0x7F0] =	vst v27  }
.LBB2_2:
0x8c: {  	s20 =	sadd.s32 $0x400, s19  }
0x8d: {  	[tilespmem:s12], [sflag:$0x1] =	stream.indirect.gather [hbm4b:s3+s11], $0x80, s20, s11, $0xb8;
	[tilespmem:$0x10A00] =	vst v63  }
0x8e: {  	s24 =	sadd.s32 $0x600, s19  }
0x8f: {  	[tilespmem:s13], [sflag:$0x1] =	stream.indirect.gather [hbm4b:s4+s11], $0x80, s24, s11, $0xb8;
	[tilespmem:$0x10A00] =	vst v63  }
0x90: {  	s25 =	sadd.s32 $0x480, s19  }
0x91: {  	[tilespmem:s14], [sflag:$0x1] =	stream.indirect.gather [hbm4b:s3+s11], $0x80, s25, s11, $0xb8;
	[tilespmem:$0x10A00] =	vst v63  }
0x92: {  	s26 =	sadd.s32 $0x680, s19  }
0x93: {  	[tilespmem:s15], [sflag:$0x1] =	stream.indirect.gather [hbm4b:s4+s11], $0x80, s26, s11, $0xb8;
	[tilespmem:$0x10A00] =	vst v63  }
0x94: {  	_ =	swait.ge [sflag:s16], $0x4000  }
0x95: {  	[sflag:s16] =	ssyncset.done $0x0  }
0x96: {  	s28 =	simm.s32 $0x0;
	[sflag:s16] =	ssyncadd.s32 $0xFFFFC000  }
0x97: {  	s21 =	sadd.s32 $0x0, s19;
	s22 =	sand.u32 $0x70, s28;
	_ =	swait.ge [sflag:s16], $0x4000  }
0x98: {  	p0 =	seq.s32 s21, $0x0;
	p2 =	sne.s32 s22, $0x0;
	[sflag:s16] =	ssyncset.done $0x0  }
0x99: {  	p0 =	por !p0, !p2;
	[sflag:s16] =	ssyncadd.s32 $0xFFFFC000  }
0x9a: {  	s23 =	simm.s32 $0xFFFFFFFF;
	p0 =	por !p0, !p0;
	_ =	swait.ge [sflag:s16], $0x4000  }
0x9b: {  	s23 =	simm.s32 @!p0 $0x0;
	[sflag:s16] =	ssyncset.done $0x0  }
0x9c: {  	s23 =	sshll.u32 s23, $0x7;
	[sflag:s16] =	ssyncadd.s32 $0xFFFFC000  }
0x9d: {  	s21 =	sadd.s32 s23, s21;
	_ =	swait.ge [sflag:s16], $0x4000  }
0x9e: {  	s21 =	sand.u32 $0xFFFFFF80, s21;
	[sflag:s16] =	ssyncset.done $0x0  }
0x9f: {  	s21 =	sor.u32 s22, s21;
	[sflag:s16] =	ssyncadd.s32 $0xFFFFC000  }
0xa0: {  	v28 =	vld [tilespmem:s21+$0x0]  }
0xa1: {  	v29 =	vld [tilespmem:s21+$0x200];
	_ =	sdelay $0x2  }
0xa2: {  	v27 =	vmul.u32 $0x80, v1;
	v30 =	vmov s28  }
0xa3: {  	v30 =	vshll.u32 v30, $0x7;
	v28 =	vshrl.u32 v28, $0x8  }
0xa4: {  	v30 =	vor.u32 v27, v30;
	v29 =	vshrl.u32 v29, $0x8;
	v28 =	vand.u32 $0x60, v28  }
0xa5: {  	v29 =	vand.u32 $0x60, v29;
	v54 =	vor.u32 v30, v28  }
0xa6: {  	v55 =	vor.u32 v30, v29;
	v31 =	vor.u32 v1, v54  }
0xa7: {  	v28 =	vadd.s32 $0x1, v1;
	v32 =	vor.u32 v1, v55  }
0xa8: {  	v0 =	vld [tilespmem:$0x1FFA0];
	v33 =	vor.u32 v28, v54  }
0xa9: {  	v2 =	vld [tilespmem:$0x1FFE0];
	v29 =	vadd.s32 $0x2, v1;
	v34 =	vor.u32 v28, v55  }
0xaa: {  	v4 =	vld [tilespmem:$0x1FF90];
	v35 =	vor.u32 v29, v54  }
0xab: {  	v30 =	vadd.s32 $0x3, v1;
	v37 =	vor.u32 v29, v55;
	v36 =	vld.idx.msk [tilespmem:v31+s12+$0x0], $0xffff  }
0xac: {  	v39 =	vor.u32 v30, v54;
	v38 =	vld.idx.msk [tilespmem:v32+s13+$0x0], $0xffff  }
0xad: {  	v41 =	vor.u32 v30, v55;
	v40 =	vld.idx.msk [tilespmem:v33+s12+$0x0], $0xffff;
	v31 =	vadd.s32 $0x4, v1  }
0xae: {  	v42 =	vld.idx.msk [tilespmem:v34+s13+$0x0], $0xffff;
	v52 =	vor.u32 v31, v54  }
0xaf: {  	v43 =	vld.idx.msk [tilespmem:v35+s12+$0x0], $0xffff;
	v32 =	vadd.s32 $0x5, v1;
	v53 =	vor.u32 v31, v55  }
0xb0: {  	v37 =	vld.idx.msk [tilespmem:v37+s13+$0x0], $0xffff;
	v44 =	vor.u32 v32, v54  }
0xb1: {  	v39 =	vld.idx.msk [tilespmem:v39+s12+$0x0], $0xffff;
	v33 =	vadd.s32 $0x6, v1;
	v45 =	vor.u32 v32, v55  }
0xb2: {  	v56 =	vld.idx.msk [tilespmem:v41+s13+$0x0], $0xffff;
	v57 =	vor.u32 v33, v54;
	v36 =	vmul.f32 v38, v36  }
0xb3: {  	v34 =	vadd.s32 $0x7, v1;
	v46 =	vor.u32 v33, v55;
	v47 =	vld.idx.msk [tilespmem:v52+s12+$0x0], $0xffff  }
0xb4: {  	v48 =	vor.u32 v34, v54;
	v40 =	vmul.f32 v42, v40;
	v58 =	vld.idx.msk [tilespmem:v53+s13+$0x0], $0xffff;
	v36 =	vadd.f32 $0.0e+00, v36  }
0xb5: {  	v35 =	vadd.s32 $0x8, v1;
	v49 =	vor.u32 v34, v55;
	v44 =	vld.idx.msk [tilespmem:v44+s12+$0x0], $0xffff  }
0xb6: {  	v60 =	vor.u32 v35, v54;
	v37 =	vmul.f32 v37, v43;
	v59 =	vld.idx.msk [tilespmem:v45+s13+$0x0], $0xffff;
	v40 =	vadd.f32 v40, v36  }
0xb7: {  	v50 =	vor.u32 v35, v55;
	v41 =	vld.idx.msk [tilespmem:v57+s12+$0x0], $0xffff;
	v36 =	vadd.s32 $0x9, v1  }
0xb8: {  	v38 =	vmul.f32 v56, v39;
	v46 =	vld.idx.msk [tilespmem:v46+s13+$0x0], $0xffff;
	v61 =	vor.u32 v36, v54;
	v40 =	vadd.f32 v37, v40  }
0xb9: {  	v48 =	vld.idx.msk [tilespmem:v48+s12+$0x0], $0xffff;
	v51 =	vor.u32 v36, v55;
	v37 =	vadd.s32 $0xA, v1  }
0xba: {  	v42 =	vmul.f32 v58, v47;
	v47 =	vld.idx.msk [tilespmem:v49+s13+$0x0], $0xffff;
	v49 =	vor.u32 v37, v54;
	v40 =	vadd.f32 v38, v40  }
0xbb: {  	v45 =	vld.idx.msk [tilespmem:v60+s12+$0x0], $0xffff;
	v52 =	vor.u32 v37, v55;
	v38 =	vadd.s32 $0xB, v1  }
0xbc: {  	v43 =	vld.idx.msk [tilespmem:v50+s13+$0x0], $0xffff;
	v62 =	vmul.f32 v59, v44;
	v63 =	vor.u32 v38, v54;
	v40 =	vadd.f32 v42, v40  }
0xbd: {  	v39 =	vadd.s32 $0xC, v1;
	v60 =	vor.u32 v38, v55;
	v53 =	vld.idx.msk [tilespmem:v61+s12+$0x0], $0xffff  }
0xbe: {  	v41 =	vmul.f32 v46, v41;
	v61 =	vld.idx.msk [tilespmem:v51+s13+$0x0], $0xffff;
	v42 =	vadd.f32 v62, v40;
	v62 =	vor.u32 v39, v54  }
0xbf: {  	v56 =	vor.u32 v39, v55;
	v49 =	vld.idx.msk [tilespmem:v49+s12+$0x0], $0xffff;
	v40 =	vadd.s32 $0xD, v1  }
0xc0: {  	v47 =	vmul.f32 v47, v48;
	v48 =	vld.idx.msk [tilespmem:v52+s13+$0x0], $0xffff;
	v52 =	vor.u32 v40, v54;
	v42 =	vadd.f32 v41, v42  }
0xc1: {  	v57 =	vor.u32 v40, v55;
	v44 =	vld.idx.msk [tilespmem:v63+s12+$0x0], $0xffff  }
0xc2: {  	v43 =	vmul.f32 v43, v45;
	v50 =	vld.idx.msk [tilespmem:v60+s13+$0x0], $0xffff;
	v47 =	vadd.f32 v47, v42  }
0xc3: {  	v51 =	vld.idx.msk [tilespmem:v62+s12+$0x0], $0xffff  }
0xc4: {  	v41 =	vadd.s32 $0xE, v1;
	v46 =	vmul.f32 v61, v53;
	v43 =	vadd.f32 v43, v47;
	v47 =	vld.idx.msk [tilespmem:v56+s13+$0x0], $0xffff  }
0xc5: {  	v58 =	vor.u32 v41, v54;
	v59 =	vor.u32 v41, v55;
	v53 =	vsel vm0, v9, v3;
	v52 =	vld.idx.msk [tilespmem:v52+s12+$0x0], $0xffff  }
0xc6: {  	v42 =	vadd.s32 $0xF, v1;
	v48 =	vmul.f32 v48, v49;
	v49 =	vld.idx.msk [tilespmem:v57+s13+$0x0], $0xffff;
	v46 =	vadd.f32 v46, v43  }
0xc7: {  	v56 =	vor.u32 v42, v54;
	v43 =	vcombine.low v0, v53;
	v0 =	vld [tilespmem:$0x1FFC0]  }
0xc8: {  	v5 =	vld [tilespmem:$0x1FFF0];
	v60 =	vor.u32 v42, v55;
	v46 =	vadd.f32 v48, v46;
	v48 =	vmul.f32 v50, v44  }
0xc9: {  	v6 =	vld [tilespmem:$0x1FFD0];
	v45 =	vor.u32 $0x10, v1;
	v63 =	vsel vm0, v16, v13  }
0xca: {  	v57 =	vor.u32 v45, v54;
	v58 =	vld.idx.msk [tilespmem:v58+s12+$0x0], $0xffff;
	v47 =	vmul.f32 v47, v51;
	v48 =	vadd.f32 v48, v46  }
0xcb: {  	v61 =	vsel vm0, v11, v8;
	v62 =	vor.u32 v45, v55;
	v50 =	vld.idx.msk [tilespmem:v59+s13+$0x0], $0xffff;
	v59 =	vor.u32 v43, v54  }
0xcc: {  	v56 =	vld.idx.msk [tilespmem:v56+s12+$0x0], $0xffff;
	v44 =	vcombine.low v0, v61;
	v47 =	vadd.f32 v47, v48;
	v48 =	vmul.f32 v49, v52  }
0xcd: {  	v51 =	vld.idx.msk [tilespmem:v60+s13+$0x0], $0xffff;
	v46 =	vcombine.low v2, v63;
	v0 =	vor.u32 v43, v55;
	v49 =	vsel vm0, v3, v4  }
0xce: {  	v60 =	vor.u32 v44, v54;
	v48 =	vadd.f32 v48, v47;
	v47 =	vcombine.low v49, v5;
	v5 =	vld [tilespmem:$0x1FFB0]  }
0xcf: {  	v57 =	vld.idx.msk [tilespmem:v57+s12+$0x0], $0xffff;
	v2 =	vor.u32 v44, v55  }
0xd0: {  	v52 =	vld.idx.msk [tilespmem:v62+s13+$0x0], $0xffff;
	v62 =	vor.u32 v46, v54  }
0xd1: {  	v4 =	vor.u32 v46, v55;
	v59 =	vld.idx.msk [tilespmem:v59+s12+$0x0], $0xffff;
	v50 =	vmul.f32 v50, v58  }
0xd2: {  	v58 =	vor.u32 v15, v54;
	v51 =	vmul.f32 v51, v56;
	v0 =	vld.idx.msk [tilespmem:v0+s13+$0x0], $0xffff  }
0xd3: {  	v50 =	vadd.f32 v50, v48;
	v60 =	vld.idx.msk [tilespmem:v60+s12+$0x0], $0xffff;
	v49 =	vsel vm0, v8, v5;
	v5 =	vor.u32 v15, v55  }
0xd4: {  	v56 =	vor.u32 v47, v54;
	v7 =	vor.u32 v47, v55;
	v2 =	vld.idx.msk [tilespmem:v2+s13+$0x0], $0xffff;
	v48 =	vcombine.low v49, v17  }
0xd5: {  	v62 =	vld.idx.msk [tilespmem:v62+s12+$0x0], $0xffff;
	v50 =	vadd.f32 v51, v50;
	v51 =	vmul.f32 v52, v57;
	v49 =	vsel vm0, v13, v6  }
0xd6: {  	v4 =	vld.idx.msk [tilespmem:v4+s13+$0x0], $0xffff;
	v52 =	vsel vm0, v12, v14;
	v49 =	vcombine.low v49, v21;
	v57 =	vor.u32 v48, v54  }
0xd7: {  	v58 =	vld.idx.msk [tilespmem:v58+s12+$0x0], $0xffff;
	v51 =	vadd.f32 v51, v50;
	v0 =	vmul.f32 v0, v59;
	v6 =	vor.u32 v48, v55  }
0xd8: {  	v50 =	vcombine.low v52, v22;
	v59 =	vor.u32 v49, v54;
	v5 =	vld.idx.msk [tilespmem:v5+s13+$0x0], $0xffff  }
0xd9: {  	v56 =	vld.idx.msk [tilespmem:v56+s12+$0x0], $0xffff;
	v0 =	vadd.f32 v0, v51;
	v10 =	vor.u32 v49, v55;
	v2 =	vmul.f32 v2, v60  }
0xda: {  	v7 =	vld.idx.msk [tilespmem:v7+s13+$0x0], $0xffff;
	v51 =	vcombine.low v53, v23;
	v60 =	vor.u32 v50, v54  }
0xdb: {  	v4 =	vmul.f32 v4, v62;
	v0 =	vadd.f32 v2, v0;
	v2 =	vor.u32 v50, v55;
	v57 =	vld.idx.msk [tilespmem:v57+s12+$0x0], $0xffff  }
0xdc: {  	v52 =	vcombine.low v61, v24;
	v61 =	vor.u32 v51, v54;
	v6 =	vld.idx.msk [tilespmem:v6+s13+$0x0], $0xffff  }
0xdd: {  	v0 =	vadd.f32 v4, v0;
	v4 =	vor.u32 v51, v55;
	v59 =	vld.idx.msk [tilespmem:v59+s12+$0x0], $0xffff;
	v5 =	vmul.f32 v5, v58  }
0xde: {  	v53 =	vcombine.low v63, v25;
	v10 =	vld.idx.msk [tilespmem:v10+s13+$0x0], $0xffff;
	v58 =	vor.u32 v52, v54  }
0xdf: {  	v7 =	vmul.f32 v7, v56;
	v60 =	vld.idx.msk [tilespmem:v60+s12+$0x0], $0xffff;
	v0 =	vadd.f32 v5, v0;
	v5 =	vor.u32 v52, v55  }
0xe0: {  	v56 =	vor.u32 v53, v54;
	v2 =	vld.idx.msk [tilespmem:v2+s13+$0x0], $0xffff  }
0xe1: {  	v61 =	vld.idx.msk [tilespmem:v61+s12+$0x0], $0xffff;
	v6 =	vmul.f32 v6, v57;
	v0 =	vadd.f32 v7, v0;
	v7 =	vor.u32 v53, v55  }
0xe2: {  	v4 =	vld.idx.msk [tilespmem:v4+s13+$0x0], $0xffff;
	v57 =	vor.u32 v18, v54  }
0xe3: {  	v10 =	vmul.f32 v10, v59;
	v58 =	vld.idx.msk [tilespmem:v58+s12+$0x0], $0xffff;
	v0 =	vadd.f32 v6, v0;
	v6 =	vor.u32 v18, v55  }
0xe4: {  	v59 =	vor.u32 v19, v54;
	v5 =	vld.idx.msk [tilespmem:v5+s13+$0x0], $0xffff  }
0xe5: {  	v56 =	vld.idx.msk [tilespmem:v56+s12+$0x0], $0xffff;
	v2 =	vmul.f32 v2, v60;
	v0 =	vadd.f32 v10, v0;
	v10 =	vor.u32 v19, v55  }
0xe6: {  	v60 =	vor.u32 v20, v54;
	v7 =	vld.idx.msk [tilespmem:v7+s13+$0x0], $0xffff  }
0xe7: {  	v57 =	vld.idx.msk [tilespmem:v57+s12+$0x0], $0xffff;
	v4 =	vmul.f32 v4, v61;
	v0 =	vadd.f32 v2, v0;
	v2 =	vor.u32 v20, v55  }
0xe8: {  	v54 =	vor.u32 v26, v54;
	v6 =	vld.idx.msk [tilespmem:v6+s13+$0x0], $0xffff  }
0xe9: {  	v59 =	vld.idx.msk [tilespmem:v59+s12+$0x0], $0xffff;
	v55 =	vor.u32 v26, v55;
	v0 =	vadd.f32 v4, v0;
	v4 =	vmul.f32 v5, v58  }
0xea: {  	v5 =	vld.idx.msk [tilespmem:v10+s13+$0x0], $0xffff  }
0xeb: {  	v10 =	vld.idx.msk [tilespmem:v60+s12+$0x0], $0xffff;
	v0 =	vadd.f32 v4, v0;
	v4 =	vmul.f32 v7, v56  }
0xec: {  	v2 =	vld.idx.msk [tilespmem:v2+s13+$0x0], $0xffff  }
0xed: {  	v7 =	vld.idx.msk [tilespmem:v54+s12+$0x0], $0xffff;
	v0 =	vadd.f32 v4, v0;
	v4 =	vmul.f32 v6, v57  }
0xee: {  	s29 =	simm.s32 $0x10;
	v6 =	vld.idx.msk [tilespmem:v55+s13+$0x0], $0xffff  }
0xef: {  	s30 =	sadd.s32 $0x10, s19;
	s31 =	sand.u32 $0x70, s29;
	v0 =	vadd.f32 v4, v0;
	v4 =	vmul.f32 v5, v59  }
0xf0: {  	p5 =	seq.s32 s30, $0x0;
	p6 =	sne.s32 s31, $0x0  }
0xf1: {  	p0 =	por !p5, !p6;
	v0 =	vadd.f32 v4, v0;
	v2 =	vmul.f32 v2, v10  }
0xf2: {  	p0 =	por !p0, !p0;
	s23 =	simm.s32 $0xFFFFFFFF  }
0xf3: {  	s23 =	simm.s32 @!p0 $0x0;
	v0 =	vadd.f32 v2, v0;
	v2 =	vmul.f32 v6, v7  }
0xf4: {  	s24 =	sshll.u32 s19, $0x2;
	s23 =	sshll.u32 s23, $0x7  }
0xf5: {  	s24 =	sshra.s32 s24, $0x2;
	s23 =	sadd.s32 s23, s30;
	v0 =	vadd.f32 v2, v0  }
0xf6: {  	s20 =	sadd.s32 $0x10800, s24;
	s23 =	sand.u32 $0xFFFFFF80, s23  }
0xf7: {  	s22 =	sor.u32 s31, s23;
	[tilespmem:s20+$0x0] =	vst v0  }
0xf8: {  	v0 =	vld [tilespmem:s22+$0x0]  }
0xf9: {  	v2 =	vld [tilespmem:s22+$0x200];
	_ =	sdelay $0x2  }
0xfa: {  	v4 =	vmov s29  }
0xfb: {  	v4 =	vshll.u32 v4, $0x7;
	v0 =	vshrl.u32 v0, $0x8  }
0xfc: {  	v4 =	vor.u32 v27, v4;
	v2 =	vshrl.u32 v2, $0x8;
	v0 =	vand.u32 $0x60, v0  }
0xfd: {  	v2 =	vand.u32 $0x60, v2;
	v54 =	vor.u32 v4, v0  }
0xfe: {  	v55 =	vor.u32 v4, v2;
	v0 =	vor.u32 v1, v54  }
0xff: {  	v2 =	vor.u32 v1, v55  }
0x100: {  	v4 =	vor.u32 v28, v54  }
0x101: {  	v5 =	vor.u32 v28, v55  }
0x102: {  	v6 =	vor.u32 v29, v54  }
0x103: {  	v7 =	vor.u32 v29, v55;
	v0 =	vld.idx.msk [tilespmem:v0+s12+$0x0], $0xffff  }
0x104: {  	v10 =	vor.u32 v30, v54;
	v2 =	vld.idx.msk [tilespmem:v2+s13+$0x0], $0xffff  }
0x105: {  	v56 =	vor.u32 v30, v55;
	v4 =	vld.idx.msk [tilespmem:v4+s12+$0x0], $0xffff  }
0x106: {  	v57 =	vor.u32 v31, v54;
	v5 =	vld.idx.msk [tilespmem:v5+s13+$0x0], $0xffff  }
0x107: {  	v58 =	vor.u32 v31, v55;
	v6 =	vld.idx.msk [tilespmem:v6+s12+$0x0], $0xffff  }
0x108: {  	v59 =	vor.u32 v32, v54;
	v7 =	vld.idx.msk [tilespmem:v7+s13+$0x0], $0xffff  }
0x109: {  	v60 =	vor.u32 v32, v55;
	v10 =	vld.idx.msk [tilespmem:v10+s12+$0x0], $0xffff;
	v0 =	vmul.f32 v2, v0  }
0x10a: {  	v2 =	vld.idx.msk [tilespmem:v56+s13+$0x0], $0xffff;
	v56 =	vor.u32 v33, v54  }
0x10b: {  	v61 =	vor.u32 v33, v55;
	v57 =	vld.idx.msk [tilespmem:v57+s12+$0x0], $0xffff;
	v4 =	vmul.f32 v5, v4;
	v0 =	vadd.f32 $0.0e+00, v0  }
0x10c: {  	v5 =	vld.idx.msk [tilespmem:v58+s13+$0x0], $0xffff;
	v58 =	vor.u32 v34, v54  }
0x10d: {  	v59 =	vld.idx.msk [tilespmem:v59+s12+$0x0], $0xffff;
	v6 =	vmul.f32 v7, v6;
	v0 =	vadd.f32 v4, v0;
	v4 =	vor.u32 v34, v55  }
0x10e: {  	v7 =	vld.idx.msk [tilespmem:v60+s13+$0x0], $0xffff;
	v60 =	vor.u32 v35, v54  }
0x10f: {  	v56 =	vld.idx.msk [tilespmem:v56+s12+$0x0], $0xffff;
	v2 =	vmul.f32 v2, v10;
	v0 =	vadd.f32 v6, v0;
	v6 =	vor.u32 v35, v55  }
0x110: {  	v10 =	vld.idx.msk [tilespmem:v61+s13+$0x0], $0xffff;
	v61 =	vor.u32 v36, v54  }
0x111: {  	v58 =	vld.idx.msk [tilespmem:v58+s12+$0x0], $0xffff;
	v5 =	vmul.f32 v5, v57;
	v0 =	vadd.f32 v2, v0;
	v2 =	vor.u32 v36, v55  }
0x112: {  	v57 =	vor.u32 v37, v54;
	v4 =	vld.idx.msk [tilespmem:v4+s13+$0x0], $0xffff  }
0x113: {  	v60 =	vld.idx.msk [tilespmem:v60+s12+$0x0], $0xffff;
	v7 =	vmul.f32 v7, v59;
	v0 =	vadd.f32 v5, v0;
	v5 =	vor.u32 v37, v55  }
0x114: {  	v59 =	vor.u32 v38, v54;
	v6 =	vld.idx.msk [tilespmem:v6+s13+$0x0], $0xffff  }
0x115: {  	v61 =	vld.idx.msk [tilespmem:v61+s12+$0x0], $0xffff;
	v10 =	vmul.f32 v10, v56;
	v0 =	vadd.f32 v7, v0;
	v7 =	vor.u32 v38, v55  }
0x116: {  	v56 =	vor.u32 v39, v54;
	v2 =	vld.idx.msk [tilespmem:v2+s13+$0x0], $0xffff  }
0x117: {  	v57 =	vld.idx.msk [tilespmem:v57+s12+$0x0], $0xffff;
	v0 =	vadd.f32 v10, v0;
	v10 =	vor.u32 v39, v55;
	v4 =	vmul.f32 v4, v58  }
0x118: {  	v58 =	vor.u32 v40, v54;
	v5 =	vld.idx.msk [tilespmem:v5+s13+$0x0], $0xffff  }
0x119: {  	v59 =	vld.idx.msk [tilespmem:v59+s12+$0x0], $0xffff;
	v0 =	vadd.f32 v4, v0;
	v4 =	vor.u32 v40, v55;
	v6 =	vmul.f32 v6, v60  }
0x11a: {  	v60 =	vor.u32 v41, v54;
	v7 =	vld.idx.msk [tilespmem:v7+s13+$0x0], $0xffff  }
0x11b: {  	v56 =	vld.idx.msk [tilespmem:v56+s12+$0x0], $0xffff;
	v0 =	vadd.f32 v6, v0;
	v6 =	vor.u32 v41, v55;
	v2 =	vmul.f32 v2, v61  }
0x11c: {  	v61 =	vor.u32 v42, v54;
	v10 =	vld.idx.msk [tilespmem:v10+s13+$0x0], $0xffff  }
0x11d: {  	v58 =	vld.idx.msk [tilespmem:v58+s12+$0x0], $0xffff;
	v0 =	vadd.f32 v2, v0;
	v2 =	vor.u32 v42, v55;
	v5 =	vmul.f32 v5, v57  }
0x11e: {  	v57 =	vor.u32 v45, v54;
	v4 =	vld.idx.msk [tilespmem:v4+s13+$0x0], $0xffff  }
0x11f: {  	v60 =	vld.idx.msk [tilespmem:v60+s12+$0x0], $0xffff;
	v0 =	vadd.f32 v5, v0;
	v5 =	vor.u32 v45, v55;
	v7 =	vmul.f32 v7, v59  }
0x120: {  	v59 =	vor.u32 v43, v54;
	v6 =	vld.idx.msk [tilespmem:v6+s13+$0x0], $0xffff  }
0x121: {  	v61 =	vld.idx.msk [tilespmem:v61+s12+$0x0], $0xffff;
	v0 =	vadd.f32 v7, v0;
	v7 =	vor.u32 v43, v55;
	v10 =	vmul.f32 v10, v56  }
0x122: {  	v56 =	vor.u32 v44, v54;
	v2 =	vld.idx.msk [tilespmem:v2+s13+$0x0], $0xffff  }
0x123: {  	v57 =	vld.idx.msk [tilespmem:v57+s12+$0x0], $0xffff;
	v0 =	vadd.f32 v10, v0;
	v10 =	vor.u32 v44, v55;
	v4 =	vmul.f32 v4, v58  }
0x124: {  	v58 =	vor.u32 v46, v54;
	v5 =	vld.idx.msk [tilespmem:v5+s13+$0x0], $0xffff  }
0x125: {  	v59 =	vld.idx.msk [tilespmem:v59+s12+$0x0], $0xffff;
	v0 =	vadd.f32 v4, v0;
	v4 =	vor.u32 v46, v55;
	v6 =	vmul.f32 v6, v60  }
0x126: {  	v60 =	vor.u32 v15, v54;
	v7 =	vld.idx.msk [tilespmem:v7+s13+$0x0], $0xffff  }
0x127: {  	v56 =	vld.idx.msk [tilespmem:v56+s12+$0x0], $0xffff;
	v0 =	vadd.f32 v6, v0;
	v6 =	vor.u32 v15, v55;
	v2 =	vmul.f32 v2, v61  }
0x128: {  	v61 =	vor.u32 v47, v54;
	v10 =	vld.idx.msk [tilespmem:v10+s13+$0x0], $0xffff  }
0x129: {  	v58 =	vld.idx.msk [tilespmem:v58+s12+$0x0], $0xffff;
	v0 =	vadd.f32 v2, v0;
	v2 =	vor.u32 v47, v55;
	v5 =	vmul.f32 v5, v57  }
0x12a: {  	v57 =	vor.u32 v48, v54;
	v4 =	vld.idx.msk [tilespmem:v4+s13+$0x0], $0xffff  }
0x12b: {  	v60 =	vld.idx.msk [tilespmem:v60+s12+$0x0], $0xffff;
	v0 =	vadd.f32 v5, v0;
	v5 =	vor.u32 v48, v55;
	v7 =	vmul.f32 v7, v59  }
0x12c: {  	v59 =	vor.u32 v49, v54;
	v6 =	vld.idx.msk [tilespmem:v6+s13+$0x0], $0xffff  }
0x12d: {  	v61 =	vld.idx.msk [tilespmem:v61+s12+$0x0], $0xffff;
	v0 =	vadd.f32 v7, v0;
	v7 =	vor.u32 v49, v55;
	v10 =	vmul.f32 v10, v56  }
0x12e: {  	v56 =	vor.u32 v50, v54;
	v2 =	vld.idx.msk [tilespmem:v2+s13+$0x0], $0xffff  }
0x12f: {  	v57 =	vld.idx.msk [tilespmem:v57+s12+$0x0], $0xffff;
	v0 =	vadd.f32 v10, v0;
	v10 =	vor.u32 v50, v55;
	v4 =	vmul.f32 v4, v58  }
0x130: {  	v58 =	vor.u32 v51, v54;
	v5 =	vld.idx.msk [tilespmem:v5+s13+$0x0], $0xffff  }
0x131: {  	v59 =	vld.idx.msk [tilespmem:v59+s12+$0x0], $0xffff;
	v0 =	vadd.f32 v4, v0;
	v4 =	vor.u32 v51, v55;
	v6 =	vmul.f32 v6, v60  }
0x132: {  	v60 =	vor.u32 v52, v54;
	v7 =	vld.idx.msk [tilespmem:v7+s13+$0x0], $0xffff  }
0x133: {  	v56 =	vld.idx.msk [tilespmem:v56+s12+$0x0], $0xffff;
	v0 =	vadd.f32 v6, v0;
	v6 =	vor.u32 v52, v55;
	v2 =	vmul.f32 v2, v61  }
0x134: {  	v10 =	vld.idx.msk [tilespmem:v10+s13+$0x0], $0xffff  }
0x135: {  	v61 =	vor.u32 v53, v54;
	v58 =	vld.idx.msk [tilespmem:v58+s12+$0x0], $0xffff;
	v0 =	vadd.f32 v2, v0;
	v5 =	vmul.f32 v5, v57  }
0x136: {  	v2 =	vor.u32 v53, v55;
	v4 =	vld.idx.msk [tilespmem:v4+s13+$0x0], $0xffff  }
0x137: {  	v57 =	vor.u32 v18, v54;
	v60 =	vld.idx.msk [tilespmem:v60+s12+$0x0], $0xffff;
	v0 =	vadd.f32 v5, v0;
	v7 =	vmul.f32 v7, v59  }
0x138: {  	v5 =	vor.u32 v18, v55;
	v6 =	vld.idx.msk [tilespmem:v6+s13+$0x0], $0xffff  }
0x139: {  	v63 =	vor.u32 v19, v54;
	v0 =	vadd.f32 v7, v0;
	v10 =	vmul.f32 v10, v56  }
0x13a: {  	v7 =	vld.idx.msk [tilespmem:v61+s12+$0x0], $0xffff;
	v56 =	vor.u32 v19, v55  }
0x13b: {  	v2 =	vld.idx.msk [tilespmem:v2+s13+$0x0], $0xffff;
	v0 =	vadd.f32 v10, v0;
	v10 =	vor.u32 v20, v54;
	v4 =	vmul.f32 v4, v58  }
0x13c: {  	v57 =	vld.idx.msk [tilespmem:v57+s12+$0x0], $0xffff;
	v58 =	vor.u32 v20, v55  }
0x13d: {  	v5 =	vld.idx.msk [tilespmem:v5+s13+$0x0], $0xffff;
	v0 =	vadd.f32 v4, v0;
	v4 =	vmul.f32 v6, v60;
	v6 =	vor.u32 v26, v54  }
0x13e: {  	v59 =	vld.idx.msk [tilespmem:v63+s12+$0x0], $0xffff;
	v60 =	vor.u32 v26, v55  }
0x13f: {  	v61 =	vld.idx.msk [tilespmem:v56+s13+$0x0], $0xffff  }
0x140: {  	v0 =	vadd.f32 v4, v0;
	v2 =	vmul.f32 v2, v7;
	v55 =	vld.idx.msk [tilespmem:v10+s12+$0x0], $0xffff  }
0x141: {  	v56 =	vld.idx.msk [tilespmem:v58+s13+$0x0], $0xffff  }
0x142: {  	v0 =	vadd.f32 v2, v0;
	v2 =	vmul.f32 v5, v57;
	v54 =	vld.idx.msk [tilespmem:v6+s12+$0x0], $0xffff  }
0x143: {  	s24 =	sadd.s32 $0x20, s19;
	s21 =	simm.s32 $0x20;
	v57 =	vld.idx.msk [tilespmem:v60+s13+$0x0], $0xffff  }
0x144: {  	p2 =	seq.s32 s24, $0x0;
	s23 =	sand.u32 $0x70, s21;
	v58 =	vadd.f32 v2, v0;
	v59 =	vmul.f32 v61, v59  }
0x145: {  	p0 =	por p1, p1;
	p3 =	sne.s32 s23, $0x0;
	s22 =	simm.s32 $0x30  }
.LBB2_3:
0x146: {  	p1 =	sne.s32 s22, $0xF0;
	p2 =	por !p2, !p3;
	v0 =	vadd.f32 v59, v58;
	v2 =	vmul.f32 v56, v55  }
0x147: {  	s25 =	simm.s32 $0xFFFFFFFF;
	p2 =	por !p2, !p2  }
0x148: {  	s25 =	simm.s32 @!p2 $0x0;
	v0 =	vadd.f32 v2, v0;
	v2 =	vmul.f32 v57, v54  }
0x149: {  	s25 =	sshll.u32 s25, $0x7  }
0x14a: {  	s24 =	sadd.s32 s25, s24;
	v0 =	vadd.f32 v2, v0  }
0x14b: {  	s20 =	sadd.s32 $0x10, s20;
	s24 =	sand.u32 $0xFFFFFF80, s24  }
0x14c: {  	s23 =	sor.u32 s23, s24;
	[tilespmem:s20+$0x0] =	vst v0  }
0x14d: {  	v0 =	vld [tilespmem:s23+$0x0]  }
0x14e: {  	v2 =	vld [tilespmem:s23+$0x200];
	_ =	sdelay $0x2  }
0x14f: {  	v4 =	vmov s21;
	s21 =	smov.u32 s22  }
0x150: {  	v4 =	vshll.u32 v4, $0x7;
	v0 =	vshrl.u32 v0, $0x8  }
0x151: {  	v4 =	vor.u32 v27, v4;
	v0 =	vand.u32 $0x60, v0;
	v2 =	vshrl.u32 v2, $0x8  }
0x152: {  	v2 =	vand.u32 $0x60, v2;
	v54 =	vor.u32 v4, v0  }
0x153: {  	v0 =	vor.u32 v1, v54;
	v55 =	vor.u32 v4, v2  }
0x154: {  	v2 =	vor.u32 v1, v55  }
0x155: {  	v4 =	vor.u32 v28, v54  }
0x156: {  	v5 =	vor.u32 v28, v55  }
0x157: {  	v6 =	vor.u32 v29, v54  }
0x158: {  	v7 =	vor.u32 v29, v55;
	v0 =	vld.idx.msk [tilespmem:v0+s12+$0x0], $0xffff  }
0x159: {  	v10 =	vor.u32 v30, v54;
	v2 =	vld.idx.msk [tilespmem:v2+s13+$0x0], $0xffff  }
0x15a: {  	v56 =	vor.u32 v30, v55;
	v4 =	vld.idx.msk [tilespmem:v4+s12+$0x0], $0xffff  }
0x15b: {  	v57 =	vor.u32 v31, v54;
	v5 =	vld.idx.msk [tilespmem:v5+s13+$0x0], $0xffff  }
0x15c: {  	v58 =	vor.u32 v31, v55;
	v6 =	vld.idx.msk [tilespmem:v6+s12+$0x0], $0xffff  }
0x15d: {  	v59 =	vor.u32 v32, v54;
	v7 =	vld.idx.msk [tilespmem:v7+s13+$0x0], $0xffff  }
0x15e: {  	v60 =	vor.u32 v32, v55;
	v10 =	vld.idx.msk [tilespmem:v10+s12+$0x0], $0xffff  }
0x15f: {  	v0 =	vmul.f32 v2, v0;
	v2 =	vld.idx.msk [tilespmem:v56+s13+$0x0], $0xffff;
	v56 =	vor.u32 v33, v54  }
0x160: {  	v61 =	vor.u32 v33, v55;
	v57 =	vld.idx.msk [tilespmem:v57+s12+$0x0], $0xffff  }
0x161: {  	v0 =	vadd.f32 $0.0e+00, v0;
	v4 =	vmul.f32 v5, v4;
	v5 =	vld.idx.msk [tilespmem:v58+s13+$0x0], $0xffff;
	v58 =	vor.u32 v34, v54  }
0x162: {  	v62 =	vor.u32 v34, v55;
	v59 =	vld.idx.msk [tilespmem:v59+s12+$0x0], $0xffff  }
0x163: {  	v0 =	vadd.f32 v4, v0;
	v4 =	vmul.f32 v7, v6;
	v7 =	vor.u32 v35, v54;
	v6 =	vld.idx.msk [tilespmem:v60+s13+$0x0], $0xffff  }
0x164: {  	v60 =	vor.u32 v35, v55;
	v56 =	vld.idx.msk [tilespmem:v56+s12+$0x0], $0xffff  }
0x165: {  	v0 =	vadd.f32 v4, v0;
	v2 =	vmul.f32 v2, v10;
	v10 =	vor.u32 v36, v54;
	v4 =	vld.idx.msk [tilespmem:v61+s13+$0x0], $0xffff  }
0x166: {  	v61 =	vor.u32 v36, v55;
	v58 =	vld.idx.msk [tilespmem:v58+s12+$0x0], $0xffff  }
0x167: {  	v0 =	vadd.f32 v2, v0;
	v2 =	vmul.f32 v5, v57;
	v57 =	vor.u32 v37, v54;
	v5 =	vld.idx.msk [tilespmem:v62+s13+$0x0], $0xffff  }
0x168: {  	v62 =	vor.u32 v37, v55;
	v7 =	vld.idx.msk [tilespmem:v7+s12+$0x0], $0xffff  }
0x169: {  	v0 =	vadd.f32 v2, v0;
	v2 =	vmul.f32 v6, v59;
	v59 =	vor.u32 v38, v54;
	v6 =	vld.idx.msk [tilespmem:v60+s13+$0x0], $0xffff  }
0x16a: {  	v60 =	vor.u32 v38, v55;
	v10 =	vld.idx.msk [tilespmem:v10+s12+$0x0], $0xffff  }
0x16b: {  	v0 =	vadd.f32 v2, v0;
	v2 =	vmul.f32 v4, v56;
	v56 =	vor.u32 v39, v54;
	v4 =	vld.idx.msk [tilespmem:v61+s13+$0x0], $0xffff  }
0x16c: {  	v61 =	vor.u32 v39, v55;
	v57 =	vld.idx.msk [tilespmem:v57+s12+$0x0], $0xffff  }
0x16d: {  	v0 =	vadd.f32 v2, v0;
	v2 =	vmul.f32 v5, v58;
	v58 =	vor.u32 v40, v54;
	v5 =	vld.idx.msk [tilespmem:v62+s13+$0x0], $0xffff  }
0x16e: {  	v62 =	vor.u32 v40, v55;
	v59 =	vld.idx.msk [tilespmem:v59+s12+$0x0], $0xffff  }
0x16f: {  	v0 =	vadd.f32 v2, v0;
	v2 =	vmul.f32 v6, v7;
	v7 =	vor.u32 v41, v54;
	v6 =	vld.idx.msk [tilespmem:v60+s13+$0x0], $0xffff  }
0x170: {  	v60 =	vor.u32 v41, v55;
	v56 =	vld.idx.msk [tilespmem:v56+s12+$0x0], $0xffff  }
0x171: {  	v0 =	vadd.f32 v2, v0;
	v2 =	vmul.f32 v4, v10;
	v10 =	vor.u32 v42, v54;
	v4 =	vld.idx.msk [tilespmem:v61+s13+$0x0], $0xffff  }
0x172: {  	v61 =	vor.u32 v42, v55;
	v58 =	vld.idx.msk [tilespmem:v58+s12+$0x0], $0xffff  }
0x173: {  	v0 =	vadd.f32 v2, v0;
	v2 =	vmul.f32 v5, v57;
	v57 =	vor.u32 v45, v54;
	v5 =	vld.idx.msk [tilespmem:v62+s13+$0x0], $0xffff  }
0x174: {  	v62 =	vor.u32 v45, v55;
	v7 =	vld.idx.msk [tilespmem:v7+s12+$0x0], $0xffff  }
0x175: {  	v0 =	vadd.f32 v2, v0;
	v2 =	vmul.f32 v6, v59;
	v59 =	vor.u32 v43, v54;
	v6 =	vld.idx.msk [tilespmem:v60+s13+$0x0], $0xffff  }
0x176: {  	v60 =	vor.u32 v43, v55;
	v10 =	vld.idx.msk [tilespmem:v10+s12+$0x0], $0xffff  }
0x177: {  	v0 =	vadd.f32 v2, v0;
	v2 =	vmul.f32 v4, v56;
	v56 =	vor.u32 v44, v54;
	v4 =	vld.idx.msk [tilespmem:v61+s13+$0x0], $0xffff  }
0x178: {  	v61 =	vor.u32 v44, v55;
	v57 =	vld.idx.msk [tilespmem:v57+s12+$0x0], $0xffff  }
0x179: {  	v0 =	vadd.f32 v2, v0;
	v2 =	vmul.f32 v5, v58;
	v58 =	vor.u32 v46, v54;
	v5 =	vld.idx.msk [tilespmem:v62+s13+$0x0], $0xffff  }
0x17a: {  	v62 =	vor.u32 v46, v55;
	v59 =	vld.idx.msk [tilespmem:v59+s12+$0x0], $0xffff  }
0x17b: {  	v0 =	vadd.f32 v2, v0;
	v2 =	vmul.f32 v6, v7;
	v7 =	vor.u32 v15, v54;
	v6 =	vld.idx.msk [tilespmem:v60+s13+$0x0], $0xffff  }
0x17c: {  	v60 =	vor.u32 v15, v55;
	v56 =	vld.idx.msk [tilespmem:v56+s12+$0x0], $0xffff  }
0x17d: {  	v0 =	vadd.f32 v2, v0;
	v2 =	vmul.f32 v4, v10;
	v10 =	vor.u32 v47, v54;
	v4 =	vld.idx.msk [tilespmem:v61+s13+$0x0], $0xffff  }
0x17e: {  	v61 =	vor.u32 v47, v55;
	v58 =	vld.idx.msk [tilespmem:v58+s12+$0x0], $0xffff  }
0x17f: {  	v0 =	vadd.f32 v2, v0;
	v2 =	vmul.f32 v5, v57;
	v57 =	vor.u32 v48, v54;
	v5 =	vld.idx.msk [tilespmem:v62+s13+$0x0], $0xffff  }
0x180: {  	v62 =	vor.u32 v48, v55;
	v7 =	vld.idx.msk [tilespmem:v7+s12+$0x0], $0xffff  }
0x181: {  	v0 =	vadd.f32 v2, v0;
	v2 =	vmul.f32 v6, v59;
	v59 =	vor.u32 v49, v54;
	v6 =	vld.idx.msk [tilespmem:v60+s13+$0x0], $0xffff  }
0x182: {  	v60 =	vor.u32 v49, v55;
	v10 =	vld.idx.msk [tilespmem:v10+s12+$0x0], $0xffff  }
0x183: {  	v0 =	vadd.f32 v2, v0;
	v2 =	vmul.f32 v4, v56;
	v56 =	vor.u32 v50, v54;
	v4 =	vld.idx.msk [tilespmem:v61+s13+$0x0], $0xffff  }
0x184: {  	v61 =	vor.u32 v50, v55;
	v57 =	vld.idx.msk [tilespmem:v57+s12+$0x0], $0xffff  }
0x185: {  	v0 =	vadd.f32 v2, v0;
	v2 =	vmul.f32 v5, v58;
	v58 =	vor.u32 v51, v54;
	v5 =	vld.idx.msk [tilespmem:v62+s13+$0x0], $0xffff  }
0x186: {  	v62 =	vor.u32 v51, v55;
	v59 =	vld.idx.msk [tilespmem:v59+s12+$0x0], $0xffff  }
0x187: {  	v0 =	vadd.f32 v2, v0;
	v2 =	vmul.f32 v6, v7;
	v7 =	vor.u32 v52, v54;
	v6 =	vld.idx.msk [tilespmem:v60+s13+$0x0], $0xffff  }
0x188: {  	v60 =	vor.u32 v52, v55;
	v56 =	vld.idx.msk [tilespmem:v56+s12+$0x0], $0xffff  }
0x189: {  	v0 =	vadd.f32 v2, v0;
	v2 =	vmul.f32 v4, v10;
	v10 =	vor.u32 v53, v54;
	v4 =	vld.idx.msk [tilespmem:v61+s13+$0x0], $0xffff  }
0x18a: {  	v61 =	vor.u32 v53, v55;
	v58 =	vld.idx.msk [tilespmem:v58+s12+$0x0], $0xffff  }
0x18b: {  	v0 =	vadd.f32 v2, v0;
	v2 =	vmul.f32 v5, v57;
	v57 =	vor.u32 v18, v54;
	v5 =	vld.idx.msk [tilespmem:v62+s13+$0x0], $0xffff  }
0x18c: {  	v62 =	vor.u32 v18, v55;
	v7 =	vld.idx.msk [tilespmem:v7+s12+$0x0], $0xffff  }
0x18d: {  	v0 =	vadd.f32 v2, v0;
	v2 =	vmul.f32 v6, v59;
	v59 =	vor.u32 v19, v54;
	v6 =	vld.idx.msk [tilespmem:v60+s13+$0x0], $0xffff  }
0x18e: {  	v60 =	vor.u32 v19, v55;
	v10 =	vld.idx.msk [tilespmem:v10+s12+$0x0], $0xffff  }
0x18f: {  	v0 =	vadd.f32 v2, v0;
	v2 =	vmul.f32 v4, v56;
	v56 =	vor.u32 v20, v54;
	v4 =	vld.idx.msk [tilespmem:v61+s13+$0x0], $0xffff  }
0x190: {  	v61 =	vor.u32 v20, v55;
	v57 =	vld.idx.msk [tilespmem:v57+s12+$0x0], $0xffff  }
0x191: {  	v54 =	vor.u32 v26, v54;
	v0 =	vadd.f32 v2, v0;
	v2 =	vmul.f32 v5, v58;
	v5 =	vld.idx.msk [tilespmem:v62+s13+$0x0], $0xffff  }
0x192: {  	v58 =	vor.u32 v26, v55;
	v59 =	vld.idx.msk [tilespmem:v59+s12+$0x0], $0xffff  }
0x193: {  	v0 =	vadd.f32 v2, v0;
	v2 =	vmul.f32 v6, v7;
	v6 =	vld.idx.msk [tilespmem:v60+s13+$0x0], $0xffff  }
0x194: {  	v55 =	vld.idx.msk [tilespmem:v56+s12+$0x0], $0xffff  }
0x195: {  	v0 =	vadd.f32 v2, v0;
	v2 =	vmul.f32 v4, v10;
	v56 =	vld.idx.msk [tilespmem:v61+s13+$0x0], $0xffff  }
.Ltmp0:
0x196: {  	v54 =	vld.idx.msk [tilespmem:v54+s12+$0x0], $0xffff;
	(pc) =	sbr.rel @p1 .LBB2_3-.Ltmp0, $3  }
0x197: {  	v0 =	vadd.f32 v2, v0;
	v2 =	vmul.f32 v5, v57;
	v57 =	vld.idx.msk [tilespmem:v58+s13+$0x0], $0xffff;
	_ =	sdelay $0x1  }
0x198: {  	s24 =	sadd.s32 s22, s19;
	s23 =	sand.u32 $0x70, s22;
	v58 =	vadd.f32 v2, v0;
	v59 =	vmul.f32 v6, v59  }
0x199: {  	p2 =	seq.s32 s24, $0x0;
	s22 =	sadd.s32 $0x10, s22;
	p3 =	sne.s32 s23, $0x0  }
0x19a: {  	p1 =	por !p2, !p3;
	v0 =	vadd.f32 v59, v58;
	v2 =	vmul.f32 v56, v55  }
0x19b: {  	s19 =	simm.s32 $0xFFFFFFFF;
	p1 =	por !p1, !p1  }
0x19c: {  	s19 =	simm.s32 @!p1 $0x0;
	v0 =	vadd.f32 v2, v0;
	v2 =	vmul.f32 v57, v54  }
0x19d: {  	s19 =	sshll.u32 s19, $0x7  }
0x19e: {  	s19 =	sadd.s32 s19, s24;
	v0 =	vadd.f32 v2, v0  }
0x19f: {  	s30 =	sadd.s32 $0x10, s20;
	s22 =	sand.u32 $0xFFFFFF80, s19  }
0x1a0: {  	s31 =	sor.u32 s23, s22;
	[tilespmem:s30+$0x0] =	vst v0  }
0x1a1: {  	v0 =	vld [tilespmem:s31+$0x0]  }
0x1a2: {  	v2 =	vld [tilespmem:s31+$0x200];
	_ =	sdelay $0x2  }
0x1a3: {  	v4 =	vmov s21  }
0x1a4: {  	v4 =	vshll.u32 v4, $0x7;
	v0 =	vshrl.u32 v0, $0x8  }
0x1a5: {  	v4 =	vor.u32 v27, v4;
	v2 =	vshrl.u32 v2, $0x8;
	v0 =	vand.u32 $0x60, v0  }
0x1a6: {  	v2 =	vand.u32 $0x60, v2;
	v27 =	vor.u32 v4, v0  }
0x1a7: {  	v54 =	vor.u32 v4, v2;
	v0 =	vor.u32 v1, v27  }
0x1a8: {  	v2 =	vor.u32 v1, v54  }
0x1a9: {  	v4 =	vor.u32 v28, v27  }
0x1aa: {  	v5 =	vor.u32 v28, v54  }
0x1ab: {  	v6 =	vor.u32 v29, v27  }
0x1ac: {  	v7 =	vor.u32 v29, v54;
	v0 =	vld.idx.msk [tilespmem:v0+s12+$0x0], $0xffff  }
0x1ad: {  	v10 =	vor.u32 v30, v27;
	v2 =	vld.idx.msk [tilespmem:v2+s13+$0x0], $0xffff  }
0x1ae: {  	v61 =	vor.u32 v30, v54;
	v4 =	vld.idx.msk [tilespmem:v4+s12+$0x0], $0xffff  }
0x1af: {  	v62 =	vor.u32 v31, v27;
	v5 =	vld.idx.msk [tilespmem:v5+s13+$0x0], $0xffff  }
0x1b0: {  	v63 =	vor.u32 v31, v54;
	v6 =	vld.idx.msk [tilespmem:v6+s12+$0x0], $0xffff  }
0x1b1: {  	v55 =	vor.u32 v32, v27;
	v7 =	vld.idx.msk [tilespmem:v7+s13+$0x0], $0xffff  }
0x1b2: {  	v56 =	vor.u32 v32, v54;
	v10 =	vld.idx.msk [tilespmem:v10+s12+$0x0], $0xffff;
	v0 =	vmul.f32 v2, v0  }
0x1b3: {  	v57 =	vor.u32 v33, v27;
	v2 =	vld.idx.msk [tilespmem:v61+s13+$0x0], $0xffff  }
0x1b4: {  	v58 =	vor.u32 v33, v54;
	v29 =	vld.idx.msk [tilespmem:v62+s12+$0x0], $0xffff;
	v4 =	vmul.f32 v5, v4;
	v0 =	vadd.f32 $0.0e+00, v0  }
0x1b5: {  	v59 =	vor.u32 v34, v27;
	v5 =	vld.idx.msk [tilespmem:v63+s13+$0x0], $0xffff  }
0x1b6: {  	v60 =	vor.u32 v34, v54;
	v31 =	vld.idx.msk [tilespmem:v55+s12+$0x0], $0xffff;
	v0 =	vadd.f32 v4, v0;
	v4 =	vmul.f32 v7, v6  }
0x1b7: {  	v6 =	vld.idx.msk [tilespmem:v56+s13+$0x0], $0xffff;
	v7 =	vor.u32 v35, v27  }
0x1b8: {  	v28 =	vld.idx.msk [tilespmem:v57+s12+$0x0], $0xffff;
	v61 =	vor.u32 v35, v54;
	v2 =	vmul.f32 v2, v10;
	v0 =	vadd.f32 v4, v0  }
0x1b9: {  	v10 =	vor.u32 v36, v27;
	v4 =	vld.idx.msk [tilespmem:v58+s13+$0x0], $0xffff  }
0x1ba: {  	v30 =	vld.idx.msk [tilespmem:v59+s12+$0x0], $0xffff;
	v62 =	vor.u32 v36, v54;
	v0 =	vadd.f32 v2, v0;
	v2 =	vmul.f32 v5, v29  }
0x1bb: {  	v63 =	vor.u32 v37, v27;
	v5 =	vld.idx.msk [tilespmem:v60+s13+$0x0], $0xffff  }
0x1bc: {  	v36 =	vor.u32 v37, v54;
	v7 =	vld.idx.msk [tilespmem:v7+s12+$0x0], $0xffff;
	v0 =	vadd.f32 v2, v0;
	v2 =	vmul.f32 v6, v31  }
0x1bd: {  	v37 =	vor.u32 v38, v27;
	v6 =	vld.idx.msk [tilespmem:v61+s13+$0x0], $0xffff  }
0x1be: {  	v55 =	vor.u32 v38, v54;
	v10 =	vld.idx.msk [tilespmem:v10+s12+$0x0], $0xffff;
	v0 =	vadd.f32 v2, v0;
	v2 =	vmul.f32 v4, v28  }
0x1bf: {  	v56 =	vor.u32 v39, v27;
	v4 =	vld.idx.msk [tilespmem:v62+s13+$0x0], $0xffff  }
0x1c0: {  	v57 =	vor.u32 v39, v54;
	v29 =	vld.idx.msk [tilespmem:v63+s12+$0x0], $0xffff;
	v0 =	vadd.f32 v2, v0;
	v2 =	vmul.f32 v5, v30  }
0x1c1: {  	v58 =	vor.u32 v40, v27;
	v5 =	vld.idx.msk [tilespmem:v36+s13+$0x0], $0xffff  }
0x1c2: {  	v59 =	vor.u32 v40, v54;
	v31 =	vld.idx.msk [tilespmem:v37+s12+$0x0], $0xffff;
	v0 =	vadd.f32 v2, v0;
	v2 =	vmul.f32 v6, v7  }
0x1c3: {  	v6 =	vld.idx.msk [tilespmem:v55+s13+$0x0], $0xffff;
	v7 =	vor.u32 v41, v27  }
0x1c4: {  	v60 =	vor.u32 v41, v54;
	v28 =	vld.idx.msk [tilespmem:v56+s12+$0x0], $0xffff;
	v0 =	vadd.f32 v2, v0;
	v2 =	vmul.f32 v4, v10  }
0x1c5: {  	v4 =	vld.idx.msk [tilespmem:v57+s13+$0x0], $0xffff;
	v10 =	vor.u32 v42, v27  }
0x1c6: {  	v61 =	vor.u32 v42, v54;
	v30 =	vld.idx.msk [tilespmem:v58+s12+$0x0], $0xffff;
	v0 =	vadd.f32 v2, v0;
	v2 =	vmul.f32 v5, v29  }
0x1c7: {  	v62 =	vor.u32 v45, v27;
	v5 =	vld.idx.msk [tilespmem:v59+s13+$0x0], $0xffff  }
0x1c8: {  	v63 =	vor.u32 v45, v54;
	v7 =	vld.idx.msk [tilespmem:v7+s12+$0x0], $0xffff;
	v0 =	vadd.f32 v2, v0;
	v2 =	vmul.f32 v6, v31  }
0x1c9: {  	v36 =	vor.u32 v43, v27;
	v6 =	vld.idx.msk [tilespmem:v60+s13+$0x0], $0xffff  }
0x1ca: {  	v37 =	vor.u32 v43, v54;
	v10 =	vld.idx.msk [tilespmem:v10+s12+$0x0], $0xffff;
	v0 =	vadd.f32 v2, v0;
	v2 =	vmul.f32 v4, v28  }
0x1cb: {  	v38 =	vor.u32 v44, v27;
	v4 =	vld.idx.msk [tilespmem:v61+s13+$0x0], $0xffff  }
0x1cc: {  	v39 =	vor.u32 v44, v54;
	v29 =	vld.idx.msk [tilespmem:v62+s12+$0x0], $0xffff;
	v0 =	vadd.f32 v2, v0;
	v2 =	vmul.f32 v5, v30  }
0x1cd: {  	v40 =	vor.u32 v46, v27;
	v5 =	vld.idx.msk [tilespmem:v63+s13+$0x0], $0xffff  }
0x1ce: {  	v41 =	vor.u32 v46, v54;
	v31 =	vld.idx.msk [tilespmem:v36+s12+$0x0], $0xffff;
	v0 =	vadd.f32 v2, v0;
	v2 =	vmul.f32 v6, v7  }
0x1cf: {  	v6 =	vld.idx.msk [tilespmem:v37+s13+$0x0], $0xffff;
	v7 =	vor.u32 v15, v27  }
0x1d0: {  	v42 =	vor.u32 v15, v54;
	v28 =	vld.idx.msk [tilespmem:v38+s12+$0x0], $0xffff;
	v0 =	vadd.f32 v2, v0;
	v2 =	vmul.f32 v4, v10  }
0x1d1: {  	v4 =	vld.idx.msk [tilespmem:v39+s13+$0x0], $0xffff;
	v10 =	vor.u32 v47, v27  }
0x1d2: {  	v43 =	vor.u32 v47, v54;
	v30 =	vld.idx.msk [tilespmem:v40+s12+$0x0], $0xffff;
	v0 =	vadd.f32 v2, v0;
	v2 =	vmul.f32 v5, v29  }
0x1d3: {  	v44 =	vor.u32 v48, v27;
	v5 =	vld.idx.msk [tilespmem:v41+s13+$0x0], $0xffff  }
0x1d4: {  	v45 =	vor.u32 v48, v54;
	v7 =	vld.idx.msk [tilespmem:v7+s12+$0x0], $0xffff;
	v0 =	vadd.f32 v2, v0;
	v2 =	vmul.f32 v6, v31  }
0x1d5: {  	v46 =	vor.u32 v49, v27;
	v6 =	vld.idx.msk [tilespmem:v42+s13+$0x0], $0xffff  }
0x1d6: {  	v47 =	vor.u32 v49, v54;
	v10 =	vld.idx.msk [tilespmem:v10+s12+$0x0], $0xffff;
	v0 =	vadd.f32 v2, v0;
	v2 =	vmul.f32 v4, v28  }
0x1d7: {  	v48 =	vor.u32 v50, v27;
	v4 =	vld.idx.msk [tilespmem:v43+s13+$0x0], $0xffff  }
0x1d8: {  	v49 =	vor.u32 v50, v54;
	v29 =	vld.idx.msk [tilespmem:v44+s12+$0x0], $0xffff;
	v0 =	vadd.f32 v2, v0;
	v2 =	vmul.f32 v5, v30  }
0x1d9: {  	v50 =	vor.u32 v51, v27;
	v5 =	vld.idx.msk [tilespmem:v45+s13+$0x0], $0xffff  }
0x1da: {  	v51 =	vor.u32 v51, v54;
	v31 =	vld.idx.msk [tilespmem:v46+s12+$0x0], $0xffff;
	v0 =	vadd.f32 v2, v0;
	v2 =	vmul.f32 v6, v7  }
0x1db: {  	v6 =	vld.idx.msk [tilespmem:v47+s13+$0x0], $0xffff;
	v7 =	vor.u32 v52, v27  }
0x1dc: {  	v28 =	vld.idx.msk [tilespmem:v48+s12+$0x0], $0xffff;
	v52 =	vor.u32 v52, v54;
	v0 =	vadd.f32 v2, v0;
	v2 =	vmul.f32 v4, v10  }
0x1dd: {  	v4 =	vld.idx.msk [tilespmem:v49+s13+$0x0], $0xffff;
	v10 =	vor.u32 v53, v27  }
0x1de: {  	v55 =	vor.u32 v53, v54;
	v30 =	vld.idx.msk [tilespmem:v50+s12+$0x0], $0xffff;
	v0 =	vadd.f32 v2, v0;
	v2 =	vmul.f32 v5, v29  }
0x1df: {  	v56 =	vor.u32 v18, v27;
	v5 =	vld.idx.msk [tilespmem:v51+s13+$0x0], $0xffff  }
0x1e0: {  	v57 =	vor.u32 v18, v54;
	v7 =	vld.idx.msk [tilespmem:v7+s12+$0x0], $0xffff;
	v0 =	vadd.f32 v2, v0;
	v2 =	vmul.f32 v6, v31  }
0x1e1: {  	v58 =	vor.u32 v19, v27;
	v6 =	vld.idx.msk [tilespmem:v52+s13+$0x0], $0xffff  }
0x1e2: {  	v59 =	vor.u32 v19, v54;
	v10 =	vld.idx.msk [tilespmem:v10+s12+$0x0], $0xffff;
	v0 =	vadd.f32 v2, v0;
	v2 =	vmul.f32 v4, v28  }
0x1e3: {  	v60 =	vor.u32 v20, v27;
	v4 =	vld.idx.msk [tilespmem:v55+s13+$0x0], $0xffff  }
0x1e4: {  	v61 =	vor.u32 v20, v54;
	v29 =	vld.idx.msk [tilespmem:v56+s12+$0x0], $0xffff;
	v0 =	vadd.f32 v2, v0;
	v2 =	vmul.f32 v5, v30  }
0x1e5: {  	v27 =	vor.u32 v26, v27;
	v5 =	vld.idx.msk [tilespmem:v57+s13+$0x0], $0xffff  }
0x1e6: {  	v62 =	vld.idx.msk [tilespmem:v58+s12+$0x0], $0xffff;
	v63 =	vor.u32 v26, v54;
	v0 =	vadd.f32 v2, v0;
	v2 =	vmul.f32 v6, v7  }
0x1e7: {  	v6 =	vld.idx.msk [tilespmem:v59+s13+$0x0], $0xffff  }
0x1e8: {  	v7 =	vld.idx.msk [tilespmem:v60+s12+$0x0], $0xffff;
	v0 =	vadd.f32 v2, v0;
	v2 =	vmul.f32 v4, v10  }
0x1e9: {  	v4 =	vld.idx.msk [tilespmem:v61+s13+$0x0], $0xffff  }
0x1ea: {  	v10 =	vld.idx.msk [tilespmem:v27+s12+$0x0], $0xffff;
	v0 =	vadd.f32 v2, v0;
	v2 =	vmul.f32 v5, v29  }
0x1eb: {  	v5 =	vld.idx.msk [tilespmem:v63+s13+$0x0], $0xffff  }
0x1ec: {  	v0 =	vadd.f32 v2, v0;
	v2 =	vmul.f32 v6, v62;
	_ =	sdelay $0x1  }
0x1ed: {  	v0 =	vadd.f32 v2, v0;
	v2 =	vmul.f32 v4, v7;
	_ =	sdelay $0x1  }
.Ltmp1:
0x1ee: {  	v0 =	vadd.f32 v2, v0;
	v2 =	vmul.f32 v5, v10;
	(pc) =	sbr.rel @p0 .LBB2_2-.Ltmp1, $4  }
0x1ef: {  	_ = 	snop  }
0x1f0: {  	v0 =	vadd.f32 v2, v0  }
0x1f1: {  	s19 =	sadd.s32 $0x10, s30  }
0x1f2: {  	p1 =	por $0x0, $0x0;
	[tilespmem:s19+$0x0] =	vst v0;
	s19 =	simm.s32 $0x100  }
0x1f3: {  	s18 =	sadd.s32 $0x1, s18  }
0x1f4: {  	p0 =	sne.s32 s18, s8  }
.Ltmp2:
0x1f5: {  	_ = 	snop;
	(pc) =	sbr.rel @p0 .LBB2_1-.Ltmp2, $4  }
0x1f6: {  	[hbm4b:s7+s1] =	stream.linear.scatter [tilespmem:s17], [sflag:$0x2], $0x200, $0x38;
	[tilespmem:$0x10A00] =	vst v63  }
0x1f7: {  	_ =	swait.ge [sflag:s9], $0x200  }
0x1f8: {  	[sflag:s9] =	ssyncset.done $0x0  }
0x1f9: {  	[sflag:s9] =	ssyncadd.s32 $0xFFFFFE00  }
0x1fa: {  	_ =	sfence.sel $0x180000  }
0x1fb: {  	[bflag:$0x0] =	sbarrier.arrive $0xFFFF  }
0x1fc: {  	p0 =	sne.s32 s2, $0x0;
	_ =	strace $0x90000047  }
0x1fd: {  	s0 =	sadd.s32 @!p0 $0x100000, s0;
	[bflag:$0x2] =	sbarrier.arrive $0xFFFF  }
0x1fe: {  	[sflag:s0] =	ssyncadd.tile.s32 @!p0 $0x1;
	_ =	shalt  }
.Lfunc_end2:
_tile_overlayer_lowered:
.L_overlay_start_2:
0x1ff: {  	(tag) =	ssettag $0x2  }
0x200: {  	s0 =	rddreg [dreg:$0x0];
	s2 =	stileid.u32  }
0x201: {  	s1 =	rddreg [dreg:$0x1];
	p0 =	sne.s32 s2, $0x0  }
0x202: {  	s3 =	rddreg [dreg:$0x2];
	[bflag:$0x3] =	sbarrier.arrive $0xFFFF;
	s2 =	simm.s32 @!p0 $0x1C02  }
0x203: {  	[timem:s3], [sflag:s2] =	dma.local @!p0 [hbm:s0], s1  }
0x204: {  	s0 =	simm.s32 @!p0 $0x2  }
0x205: {  	_ =	swait.ge @!p0 [sflag:s0], s1  }
0x206: {  	s1 =	ssub.s32 @!p0 $0x0, s1;
	[sflag:s0] =	ssyncset.done @!p0 $0x0  }
0x207: {  	[sflag:s0] =	ssyncadd.s32 @!p0 s1  }
0x208: {  	[bflag:$0x3] =	sbarrier.arrive $0xFFFF  }
0x209: {  	_ =	shalt  }

</sc_bundles>
